<compile_context>
chip_gen: v7x
topology: tpu7x:2x2x1
jax: 0.10.2.dev20260603
libtpu: 0.0.44.dev20260713+nightly
codegen_flags: <defaults>
</compile_context>

<pallas_src>
import jax
import jax.numpy as jnp
from jax import lax
from jax.experimental import pallas as pl
from jax.experimental.pallas import tpu as pltpu
from jax.experimental.pallas import tpu_sc as plsc

_B, _L, _D = 1024, 200, 64
_NC, _NS = 2, 16
_NW = _NC * _NS
_SENT_W = _B // _NW
_ROWS_W = _SENT_W * _L
_GW = 128
_NG = _ROWS_W // _GW
_NBUF = 5
_NR = _NG // _NBUF


def _embed_body(ids_hbm, len_hbm, table_hbm, out_hbm,
                idx_v, len_v, b0, b1, b2, b3, b4, in_sems, out_sems):
    bufs = (b0, b1, b2, b3, b4)
    wid = lax.axis_index("s") * _NC + lax.axis_index("c")
    row0 = wid * _ROWS_W
    pltpu.sync_copy(ids_hbm.at[wid], idx_v)
    pltpu.sync_copy(len_hbm.at[pl.ds(wid * _SENT_W, _SENT_W)],
                    len_v.at[pl.ds(0, _SENT_W)])

    zeros16 = jnp.zeros((16,), jnp.float32)

    def lookup_len(s):
        return len_v[pl.ds(s, 16)][0]

    def gather(g, b):
        pltpu.async_copy(table_hbm.at[idx_v.at[g]], bufs[b], in_sems.at[b])

    def wait_gather(b):
        pltpu.make_async_copy(table_hbm.at[idx_v.at[0]], bufs[b],
                              in_sems.at[b]).wait()

    def out_slab(g):
        return out_hbm.at[pl.ds(row0 + g * _GW, _GW), pl.ds(0, _D)]

    def writeback(g, b):
        pltpu.async_copy(bufs[b], out_slab(g), out_sems.at[b])

    def wait_writeback(b):
        pltpu.make_async_copy(bufs[b], out_slab(0), out_sems.at[b]).wait()

    def zero_tails(g, buf):
        start = g * _GW
        s0 = start // _L
        e0 = jnp.minimum(_GW, (s0 + 1) * _L - start)

        def zrow(r, c2):
            for k in range(4):
                buf[r, pl.ds(k * 16, 16)] = zeros16
            return c2

        z0 = jnp.clip(s0 * _L + lookup_len(s0) - start, 0, e0)
        lax.fori_loop(z0, e0, zrow, 0)
        z1 = jnp.minimum(e0 + lookup_len(jnp.minimum(s0 + 1, _SENT_W - 1)), _GW)
        lax.fori_loop(z1, _GW, zrow, 0)

    for b in range(_NBUF):
        gather(b, b)

    def round_fn(r, c):
        g0 = r * _NBUF
        for b in range(_NBUF):
            wait_gather(b)
            zero_tails(g0 + b, bufs[b])
            writeback(g0 + b, b)

        @pl.when(r < _NR - 1)
        def _rearm():
            for b in range(_NBUF):
                wait_writeback(b)
                gather(g0 + _NBUF + b, b)

        return c

    lax.fori_loop(0, _NR, round_fn, 0)

    for b in range(_NBUF):
        wait_writeback(b)


@jax.jit
def _run(ids3d, len32, table):
    mesh = plsc.VectorSubcoreMesh(core_axis_name="c", subcore_axis_name="s")
    fn = pl.kernel(
        _embed_body,
        out_type=jax.ShapeDtypeStruct((_B * _L, 2 * _D), jnp.float32),
        mesh=mesh,
        compiler_params=pltpu.CompilerParams(use_tc_tiling_on_sc=False),
        scratch_types=[
            pltpu.VMEM((_NG, _GW), jnp.int32),
            pltpu.VMEM((_SENT_W + 16,), jnp.int32),
        ] + [pltpu.VMEM((_GW, _D), jnp.float32) for _ in range(_NBUF)] + [
            pltpu.SemaphoreType.DMA((_NBUF,)),
            pltpu.SemaphoreType.DMA((_NBUF,)),
        ],
    )
    return fn(ids3d, len32, table)


def kernel(token_ids, lengths, table):
    ids3d = token_ids.astype(jnp.int32).reshape(_NW, _NG, _GW)
    len32 = lengths.astype(jnp.int32)
    out = _run(ids3d, len32, table)
    out = out[:, :_D].reshape(_B, _L, _D)
    return (lengths.astype(jnp.int64), out)

# --- scband reference (transcript-rebuilt; emitter-appended) ---
"""Pipeline reference for scband-triton-fast-nerembedding-68848325755074 (READ-ONLY COPY).

The authoritative reference and input builder live on the scoring server;
editing this copy changes nothing except your own understanding.
"""

import jax, jax.numpy as jnp
import numpy as np

B, L, V, D = 1024, 200, 1000000, 64

def setup_inputs(seed: int = 0) -> dict:
    key = jax.random.key(seed)
    k1, k2, k3 = jax.random.split(key, 3)
    token_ids = jax.random.randint(k1, (B, L), 0, V, dtype=jnp.int64)
    lengths = jax.random.randint(k2, (B,), 1, L + 1, dtype=jnp.int64)
    table = jax.random.normal(k3, (V, D), dtype=jnp.float32) * 0.02
    return {"token_ids": token_ids, "lengths": lengths, "table": table}

def reference(token_ids, lengths, table):
    # Faithful translation of TritonFastNEREmbedding.forward:
    # 1) embed every token of every sentence (embedding table gather)
    # 2) pad each sentence with zero vectors up to the longest sentence in the batch
    # 3) return (lengths, padded sentence tensor [B, max_len, embedding_length])
    embs = jnp.take(table, token_ids, axis=0)  # [B, L, D] gather (SparseCore-friendly)
    # positions >= lengths[b] correspond to the pre_allocated_zero_tensor padding
    pos = jnp.arange(token_ids.shape[1])[None, :]  # [1, L]
    mask = (pos < lengths[:, None]).astype(embs.dtype)  # [B, L]
    sentence_tensor = embs * mask[:, :, None]  # zero-pad beyond each sentence length
    sorted_lengths = lengths.astype(jnp.int64)
    return (sorted_lengths, sentence_tensor)

if __name__ == "__main__":
    import jax
    _d = setup_inputs()
    print(jax.jit(kernel)(*tuple(_d.values())))

</pallas_src>

<mosaic_0001>
#map = affine_map<(d0, d1) -> (0, 0, 0)>
#map1 = affine_map<(d0, d1) -> (0)>
#map2 = affine_map<(d0, d1) -> (0, 0)>
module attributes {stable_mosaic.version = 14 : i64} {
  func.func @_embed_body(%arg0: i32, %arg1: i32, %arg2: memref<32x50x128xi32, #tpu.memory_space<hbm>>, %arg3: memref<1024xi32, #tpu.memory_space<hbm>>, %arg4: memref<1000000x64xf32, #tpu.memory_space<hbm>>, %arg5: memref<204800x128xf32, #tpu.memory_space<hbm>>, %arg6: memref<50x128xi32, #tpu.memory_space<vmem>>, %arg7: memref<48xi32, #tpu.memory_space<vmem>>, %arg8: memref<128x64xf32, #tpu.memory_space<vmem>>, %arg9: memref<128x64xf32, #tpu.memory_space<vmem>>, %arg10: memref<128x64xf32, #tpu.memory_space<vmem>>, %arg11: memref<128x64xf32, #tpu.memory_space<vmem>>, %arg12: memref<128x64xf32, #tpu.memory_space<vmem>>, %arg13: memref<5x!tpu.dma_semaphore, #tpu.memory_space<semaphore_mem>>, %arg14: memref<5x!tpu.dma_semaphore, #tpu.memory_space<semaphore_mem>>) attributes {dimension_semantics = [#tpu.dimension_semantics<core_parallel>, #tpu.dimension_semantics<subcore_parallel>], iteration_bounds = array<i64: 2, 16>, scalar_prefetch = 0 : i64, scratch_operands = 9 : i64, tpu.core_type = #tpu.core_type<sc_vector_subcore>, window_params = [{transform_indices = #map}, {transform_indices = #map1}, {transform_indices = #map2}, {transform_indices = #map2}]} {
    %mul3A = arith.constant 2 : i32
    %mul3A_0 = arith.muli %arg1, %mul3A : i32
    %add3A = arith.addi %mul3A_0, %arg0 : i32
    %mul3A_1 = arith.constant 6400 : i32
    %mul3A_2 = arith.muli %add3A, %mul3A_1 : i32
    "tpu.region"() ({
      %run_scoped3A = tpu.sem_alloc : memref<!tpu.dma_semaphore, #tpu.memory_space<semaphore_mem>>
      %dma_start3A_104 = arith.constant 0 : i32
      %dma_start3A_105 = arith.constant 0 : i32
      %dma_start3A_106 = tpu.memref_slice %arg2[%add3A, %dma_start3A_104, %dma_start3A_105] : memref<32x50x128xi32, #tpu.memory_space<hbm>> -> memref<1x50x128xi32, #tpu.memory_space<hbm>>
      %dma_start3A_107 = tpu.memref_squeeze %dma_start3A_106 : memref<1x50x128xi32, #tpu.memory_space<hbm>> -> memref<50x128xi32, #tpu.memory_space<hbm>>
      %dma_start3A_108 = arith.constant 0 : i32
      %dma_start3A_109 = arith.constant 0 : i32
      %dma_start3A_110 = tpu.memref_slice %arg2[%add3A, %dma_start3A_108, %dma_start3A_109] : memref<32x50x128xi32, #tpu.memory_space<hbm>> -> memref<1x50x128xi32, #tpu.memory_space<hbm>>
      %dma_start3A_111 = tpu.memref_squeeze %dma_start3A_110 : memref<1x50x128xi32, #tpu.memory_space<hbm>> -> memref<50x128xi32, #tpu.memory_space<hbm>>
      tpu.enqueue_dma source(%dma_start3A_111 : memref<50x128xi32, #tpu.memory_space<hbm>>) target(%arg6 : memref<50x128xi32, #tpu.memory_space<vmem>>) target_semaphore(%run_scoped3A : memref<!tpu.dma_semaphore, #tpu.memory_space<semaphore_mem>>)
      %dma_wait3A_112 = arith.constant 0 : i32
      %dma_wait3A_113 = arith.constant 0 : i32
      %dma_wait3A_114 = tpu.memref_slice %arg2[%add3A, %dma_wait3A_112, %dma_wait3A_113] : memref<32x50x128xi32, #tpu.memory_space<hbm>> -> memref<1x50x128xi32, #tpu.memory_space<hbm>>
      %dma_wait3A_115 = tpu.memref_squeeze %dma_wait3A_114 : memref<1x50x128xi32, #tpu.memory_space<hbm>> -> memref<50x128xi32, #tpu.memory_space<hbm>>
      %dma_wait3A_116 = arith.constant 0 : i32
      %dma_wait3A_117 = arith.constant 0 : i32
      %dma_wait3A_118 = tpu.memref_slice %arg2[%add3A, %dma_wait3A_116, %dma_wait3A_117] : memref<32x50x128xi32, #tpu.memory_space<hbm>> -> memref<1x50x128xi32, #tpu.memory_space<hbm>>
      %dma_wait3A_119 = tpu.memref_squeeze %dma_wait3A_118 : memref<1x50x128xi32, #tpu.memory_space<hbm>> -> memref<50x128xi32, #tpu.memory_space<hbm>>
      tpu.wait_dma2 semaphore(%run_scoped3A : memref<!tpu.dma_semaphore, #tpu.memory_space<semaphore_mem>>) src(%dma_wait3A_119 : memref<50x128xi32, #tpu.memory_space<hbm>>) dst(%arg6 : memref<50x128xi32, #tpu.memory_space<vmem>>)
      tpu.yield
    }) : () -> ()
    %mul3A_3 = arith.constant 32 : i32
    %mul3A_4 = arith.muli %add3A, %mul3A_3 : i32
    "tpu.region"() ({
      %run_scoped3A = tpu.sem_alloc : memref<!tpu.dma_semaphore, #tpu.memory_space<semaphore_mem>>
      %dma_start3A_104 = arith.constant 0 : i32
      %dma_start3A_105 = tpu.memref_slice %arg7[%dma_start3A_104] : memref<48xi32, #tpu.memory_space<vmem>> -> memref<32xi32, #tpu.memory_space<vmem>>
      %dma_start3A_106 = tpu.memref_slice %arg3[%mul3A_4] : memref<1024xi32, #tpu.memory_space<hbm>> -> memref<32xi32, #tpu.memory_space<hbm>>
      %dma_start3A_107 = arith.constant 0 : i32
      %dma_start3A_108 = tpu.memref_slice %arg7[%dma_start3A_107] : memref<48xi32, #tpu.memory_space<vmem>> -> memref<32xi32, #tpu.memory_space<vmem>>
      %dma_start3A_109 = tpu.memref_slice %arg3[%mul3A_4] : memref<1024xi32, #tpu.memory_space<hbm>> -> memref<32xi32, #tpu.memory_space<hbm>>
      tpu.enqueue_dma source(%dma_start3A_109 : memref<32xi32, #tpu.memory_space<hbm>>) target(%dma_start3A_108 : memref<32xi32, #tpu.memory_space<vmem>>) target_semaphore(%run_scoped3A : memref<!tpu.dma_semaphore, #tpu.memory_space<semaphore_mem>>)
      %dma_wait3A_110 = arith.constant 0 : i32
      %dma_wait3A_111 = tpu.memref_slice %arg7[%dma_wait3A_110] : memref<48xi32, #tpu.memory_space<vmem>> -> memref<32xi32, #tpu.memory_space<vmem>>
      %dma_wait3A_112 = tpu.memref_slice %arg3[%mul3A_4] : memref<1024xi32, #tpu.memory_space<hbm>> -> memref<32xi32, #tpu.memory_space<hbm>>
      %dma_wait3A_113 = arith.constant 0 : i32
      %dma_wait3A_114 = tpu.memref_slice %arg7[%dma_wait3A_113] : memref<48xi32, #tpu.memory_space<vmem>> -> memref<32xi32, #tpu.memory_space<vmem>>
      %dma_wait3A_115 = tpu.memref_slice %arg3[%mul3A_4] : memref<1024xi32, #tpu.memory_space<hbm>> -> memref<32xi32, #tpu.memory_space<hbm>>
      tpu.wait_dma2 semaphore(%run_scoped3A : memref<!tpu.dma_semaphore, #tpu.memory_space<semaphore_mem>>) src(%dma_wait3A_115 : memref<32xi32, #tpu.memory_space<hbm>>) dst(%dma_wait3A_114 : memref<32xi32, #tpu.memory_space<vmem>>)
      tpu.yield
    }) : () -> ()
    %broadcast_in_dim3A = arith.constant 0.000000e+00 : f32
    %broadcast_in_dim3A_5 = vector.broadcast %broadcast_in_dim3A : f32 to vector<16xf32>
    %dma_start3A = arith.constant 0 : i32
    %dma_start3A_6 = arith.constant 0 : i32
    %dma_start3A_7 = arith.constant 0 : i32
    %dma_start3A_8 = tpu.memref_slice %arg6[%dma_start3A, %dma_start3A_7] : memref<50x128xi32, #tpu.memory_space<vmem>> -> memref<1x128xi32, #tpu.memory_space<vmem>>
    %dma_start3A_9 = tpu.memref_squeeze %dma_start3A_8 : memref<1x128xi32, #tpu.memory_space<vmem>> -> memref<128xi32, #tpu.memory_space<vmem>>
    %dma_start3A_10 = arith.constant 0 : i32
    %dma_start3A_11 = arith.constant 0 : i32
    %dma_start3A_12 = tpu.memref_slice %arg4[%dma_start3A_10, %dma_start3A_11] : memref<1000000x64xf32, #tpu.memory_space<hbm>> -> memref<1000000x64xf32, #tpu.memory_space<hbm>>
    %dma_start3A_13 = tpu.memref_slice %arg13[%dma_start3A_6] : memref<5x!tpu.dma_semaphore, #tpu.memory_space<semaphore_mem>> -> memref<1x!tpu.dma_semaphore, #tpu.memory_space<semaphore_mem>>
    %dma_start3A_14 = tpu.memref_squeeze %dma_start3A_13 : memref<1x!tpu.dma_semaphore, #tpu.memory_space<semaphore_mem>> -> memref<!tpu.dma_semaphore, #tpu.memory_space<semaphore_mem>>
    tpu.enqueue_indirect_dma source(%dma_start3A_12 : memref<1000000x64xf32, #tpu.memory_space<hbm>>) target(%arg8 : memref<128x64xf32, #tpu.memory_space<vmem>>) offsets(%dma_start3A_9 : memref<128xi32, #tpu.memory_space<vmem>>) semaphore(%dma_start3A_14 : memref<!tpu.dma_semaphore, #tpu.memory_space<semaphore_mem>>)
    %dma_start3A_15 = arith.constant 1 : i32
    %dma_start3A_16 = arith.constant 1 : i32
    %dma_start3A_17 = arith.constant 0 : i32
    %dma_start3A_18 = tpu.memref_slice %arg6[%dma_start3A_15, %dma_start3A_17] : memref<50x128xi32, #tpu.memory_space<vmem>> -> memref<1x128xi32, #tpu.memory_space<vmem>>
    %dma_start3A_19 = tpu.memref_squeeze %dma_start3A_18 : memref<1x128xi32, #tpu.memory_space<vmem>> -> memref<128xi32, #tpu.memory_space<vmem>>
    %dma_start3A_20 = arith.constant 0 : i32
    %dma_start3A_21 = arith.constant 0 : i32
    %dma_start3A_22 = tpu.memref_slice %arg4[%dma_start3A_20, %dma_start3A_21] : memref<1000000x64xf32, #tpu.memory_space<hbm>> -> memref<1000000x64xf32, #tpu.memory_space<hbm>>
    %dma_start3A_23 = tpu.memref_slice %arg13[%dma_start3A_16] : memref<5x!tpu.dma_semaphore, #tpu.memory_space<semaphore_mem>> -> memref<1x!tpu.dma_semaphore, #tpu.memory_space<semaphore_mem>>
    %dma_start3A_24 = tpu.memref_squeeze %dma_start3A_23 : memref<1x!tpu.dma_semaphore, #tpu.memory_space<semaphore_mem>> -> memref<!tpu.dma_semaphore, #tpu.memory_space<semaphore_mem>>
    tpu.enqueue_indirect_dma source(%dma_start3A_22 : memref<1000000x64xf32, #tpu.memory_space<hbm>>) target(%arg9 : memref<128x64xf32, #tpu.memory_space<vmem>>) offsets(%dma_start3A_19 : memref<128xi32, #tpu.memory_space<vmem>>) semaphore(%dma_start3A_24 : memref<!tpu.dma_semaphore, #tpu.memory_space<semaphore_mem>>)
    %dma_start3A_25 = arith.constant 2 : i32
    %dma_start3A_26 = arith.constant 2 : i32
    %dma_start3A_27 = arith.constant 0 : i32
    %dma_start3A_28 = tpu.memref_slice %arg6[%dma_start3A_25, %dma_start3A_27] : memref<50x128xi32, #tpu.memory_space<vmem>> -> memref<1x128xi32, #tpu.memory_space<vmem>>
    %dma_start3A_29 = tpu.memref_squeeze %dma_start3A_28 : memref<1x128xi32, #tpu.memory_space<vmem>> -> memref<128xi32, #tpu.memory_space<vmem>>
    %dma_start3A_30 = arith.constant 0 : i32
    %dma_start3A_31 = arith.constant 0 : i32
    %dma_start3A_32 = tpu.memref_slice %arg4[%dma_start3A_30, %dma_start3A_31] : memref<1000000x64xf32, #tpu.memory_space<hbm>> -> memref<1000000x64xf32, #tpu.memory_space<hbm>>
    %dma_start3A_33 = tpu.memref_slice %arg13[%dma_start3A_26] : memref<5x!tpu.dma_semaphore, #tpu.memory_space<semaphore_mem>> -> memref<1x!tpu.dma_semaphore, #tpu.memory_space<semaphore_mem>>
    %dma_start3A_34 = tpu.memref_squeeze %dma_start3A_33 : memref<1x!tpu.dma_semaphore, #tpu.memory_space<semaphore_mem>> -> memref<!tpu.dma_semaphore, #tpu.memory_space<semaphore_mem>>
    tpu.enqueue_indirect_dma source(%dma_start3A_32 : memref<1000000x64xf32, #tpu.memory_space<hbm>>) target(%arg10 : memref<128x64xf32, #tpu.memory_space<vmem>>) offsets(%dma_start3A_29 : memref<128xi32, #tpu.memory_space<vmem>>) semaphore(%dma_start3A_34 : memref<!tpu.dma_semaphore, #tpu.memory_space<semaphore_mem>>)
    %dma_start3A_35 = arith.constant 3 : i32
    %dma_start3A_36 = arith.constant 3 : i32
    %dma_start3A_37 = arith.constant 0 : i32
    %dma_start3A_38 = tpu.memref_slice %arg6[%dma_start3A_35, %dma_start3A_37] : memref<50x128xi32, #tpu.memory_space<vmem>> -> memref<1x128xi32, #tpu.memory_space<vmem>>
    %dma_start3A_39 = tpu.memref_squeeze %dma_start3A_38 : memref<1x128xi32, #tpu.memory_space<vmem>> -> memref<128xi32, #tpu.memory_space<vmem>>
    %dma_start3A_40 = arith.constant 0 : i32
    %dma_start3A_41 = arith.constant 0 : i32
    %dma_start3A_42 = tpu.memref_slice %arg4[%dma_start3A_40, %dma_start3A_41] : memref<1000000x64xf32, #tpu.memory_space<hbm>> -> memref<1000000x64xf32, #tpu.memory_space<hbm>>
    %dma_start3A_43 = tpu.memref_slice %arg13[%dma_start3A_36] : memref<5x!tpu.dma_semaphore, #tpu.memory_space<semaphore_mem>> -> memref<1x!tpu.dma_semaphore, #tpu.memory_space<semaphore_mem>>
    %dma_start3A_44 = tpu.memref_squeeze %dma_start3A_43 : memref<1x!tpu.dma_semaphore, #tpu.memory_space<semaphore_mem>> -> memref<!tpu.dma_semaphore, #tpu.memory_space<semaphore_mem>>
    tpu.enqueue_indirect_dma source(%dma_start3A_42 : memref<1000000x64xf32, #tpu.memory_space<hbm>>) target(%arg11 : memref<128x64xf32, #tpu.memory_space<vmem>>) offsets(%dma_start3A_39 : memref<128xi32, #tpu.memory_space<vmem>>) semaphore(%dma_start3A_44 : memref<!tpu.dma_semaphore, #tpu.memory_space<semaphore_mem>>)
    %dma_start3A_45 = arith.constant 4 : i32
    %dma_start3A_46 = arith.constant 4 : i32
    %dma_start3A_47 = arith.constant 0 : i32
    %dma_start3A_48 = tpu.memref_slice %arg6[%dma_start3A_45, %dma_start3A_47] : memref<50x128xi32, #tpu.memory_space<vmem>> -> memref<1x128xi32, #tpu.memory_space<vmem>>
    %dma_start3A_49 = tpu.memref_squeeze %dma_start3A_48 : memref<1x128xi32, #tpu.memory_space<vmem>> -> memref<128xi32, #tpu.memory_space<vmem>>
    %dma_start3A_50 = arith.constant 0 : i32
    %dma_start3A_51 = arith.constant 0 : i32
    %dma_start3A_52 = tpu.memref_slice %arg4[%dma_start3A_50, %dma_start3A_51] : memref<1000000x64xf32, #tpu.memory_space<hbm>> -> memref<1000000x64xf32, #tpu.memory_space<hbm>>
    %dma_start3A_53 = tpu.memref_slice %arg13[%dma_start3A_46] : memref<5x!tpu.dma_semaphore, #tpu.memory_space<semaphore_mem>> -> memref<1x!tpu.dma_semaphore, #tpu.memory_space<semaphore_mem>>
    %dma_start3A_54 = tpu.memref_squeeze %dma_start3A_53 : memref<1x!tpu.dma_semaphore, #tpu.memory_space<semaphore_mem>> -> memref<!tpu.dma_semaphore, #tpu.memory_space<semaphore_mem>>
    tpu.enqueue_indirect_dma source(%dma_start3A_52 : memref<1000000x64xf32, #tpu.memory_space<hbm>>) target(%arg12 : memref<128x64xf32, #tpu.memory_space<vmem>>) offsets(%dma_start3A_49 : memref<128xi32, #tpu.memory_space<vmem>>) semaphore(%dma_start3A_54 : memref<!tpu.dma_semaphore, #tpu.memory_space<semaphore_mem>>)
    %scan3A = arith.constant 0 : i32
    %scan3A_55 = arith.constant 0 : i32
    %scan3A_56 = arith.constant 10 : i32
    %scan3A_57 = arith.addi %scan3A_55, %scan3A_56 : i32
    %scan3A_58 = arith.constant 1 : i32
    scf.for %scan3A_104 = %scan3A_55 to %scan3A_57 step %scan3A_58  : i32 {
      %mul3A_105 = arith.constant 5 : i32
      %mul3A_106 = arith.muli %scan3A_104, %mul3A_105 : i32
      %dma_wait3A_107 = arith.constant 0 : i32
      %dma_wait3A_108 = arith.constant 0 : i32
      %dma_wait3A_109 = arith.constant 0 : i32
      %dma_wait3A_110 = tpu.memref_slice %arg6[%dma_wait3A_107, %dma_wait3A_109] : memref<50x128xi32, #tpu.memory_space<vmem>> -> memref<1x128xi32, #tpu.memory_space<vmem>>
      %dma_wait3A_111 = tpu.memref_squeeze %dma_wait3A_110 : memref<1x128xi32, #tpu.memory_space<vmem>> -> memref<128xi32, #tpu.memory_space<vmem>>
      %dma_wait3A_112 = arith.constant 0 : i32
      %dma_wait3A_113 = arith.constant 0 : i32
      %dma_wait3A_114 = tpu.memref_slice %arg4[%dma_wait3A_112, %dma_wait3A_113] : memref<1000000x64xf32, #tpu.memory_space<hbm>> -> memref<1000000x64xf32, #tpu.memory_space<hbm>>
      %dma_wait3A_115 = tpu.memref_slice %arg13[%dma_wait3A_108] : memref<5x!tpu.dma_semaphore, #tpu.memory_space<semaphore_mem>> -> memref<1x!tpu.dma_semaphore, #tpu.memory_space<semaphore_mem>>
      %dma_wait3A_116 = tpu.memref_squeeze %dma_wait3A_115 : memref<1x!tpu.dma_semaphore, #tpu.memory_space<semaphore_mem>> -> memref<!tpu.dma_semaphore, #tpu.memory_space<semaphore_mem>>
      tpu.wait_indirect_dma semaphore(%dma_wait3A_116 : memref<!tpu.dma_semaphore, #tpu.memory_space<semaphore_mem>>) src(%dma_wait3A_114 : memref<1000000x64xf32, #tpu.memory_space<hbm>>) dst(%arg8 : memref<128x64xf32, #tpu.memory_space<vmem>>)
      %add3A_117 = arith.constant 0 : i32
      %add3A_118 = arith.addi %mul3A_106, %add3A_117 : i32
      %mul3A_119 = arith.constant 128 : i32
      %mul3A_120 = arith.muli %add3A_118, %mul3A_119 : i32
      %jit3A = arith.constant 200 : i32
      %div3A = arith.divsi %mul3A_120, %jit3A : i32
      %sign3A = arith.constant 0 : i32
      %sign3A_121 = arith.cmpi sgt, %mul3A_120, %sign3A : i32
      %sign3A_122 = arith.extui %sign3A_121 : i1 to i32
      %sign3A_123 = arith.constant 0 : i32
      %sign3A_124 = arith.cmpi slt, %mul3A_120, %sign3A_123 : i32
      %sign3A_125 = arith.extui %sign3A_124 : i1 to i32
      %sign3A_126 = arith.subi %sign3A_122, %sign3A_125 : i32
      %sign3A_127 = arith.constant 0 : i32
      %sign3A_128 = arith.cmpi sgt, %jit3A, %sign3A_127 : i32
      %sign3A_129 = arith.extui %sign3A_128 : i1 to i32
      %sign3A_130 = arith.constant 0 : i32
      %sign3A_131 = arith.cmpi slt, %jit3A, %sign3A_130 : i32
      %sign3A_132 = arith.extui %sign3A_131 : i1 to i32
      %sign3A_133 = arith.subi %sign3A_129, %sign3A_132 : i32
      %ne3A = arith.cmpi ne, %sign3A_126, %sign3A_133 : i32
      %rem3A = arith.remsi %mul3A_120, %jit3A : i32
      %ne3A_134 = arith.constant 0 : i32
      %ne3A_135 = arith.cmpi ne, %rem3A, %ne3A_134 : i32
      %and3A = arith.andi %ne3A, %ne3A_135 : i1
      %sub3A = arith.constant 1 : i32
      %sub3A_136 = arith.subi %div3A, %sub3A : i32
      %select_n3A = arith.select %and3A, %sub3A_136, %div3A : i32
      %add3A_137 = arith.constant 1 : i32
      %add3A_138 = arith.addi %select_n3A, %add3A_137 : i32
      %mul3A_139 = arith.constant 200 : i32
      %mul3A_140 = arith.muli %add3A_138, %mul3A_139 : i32
      %sub3A_141 = arith.subi %mul3A_140, %mul3A_120 : i32
      %min3A = arith.constant 128 : i32
      %min3A_142 = arith.minsi %min3A, %sub3A_141 : i32
      %mul3A_143 = arith.constant 200 : i32
      %mul3A_144 = arith.muli %select_n3A, %mul3A_143 : i32
      %get3A = arith.index_cast %select_n3A : i32 to index
      %get3A_145 = tpu.vector_load %arg7[%get3A] {strides = array<i32>} : memref<48xi32, #tpu.memory_space<vmem>>, vector<16xi32>,
      %get3A_146 = vector.shape_cast %get3A_145 : vector<16xi32> to vector<16xi32>
      %slice3A = vector.extract_strided_slice %get3A_146 {offsets = [0], sizes = [1], strides = [1]} : vector<16xi32> to vector<1xi32>
      %squeeze3A = vector.extract %slice3A[0] : i32 from vector<1xi32>
      %add3A_147 = arith.addi %mul3A_144, %squeeze3A : i32
      %sub3A_148 = arith.subi %add3A_147, %mul3A_120 : i32
      %jit3A_149 = arith.constant 0 : i32
      %max3A = arith.maxsi %jit3A_149, %sub3A_148 : i32
      %min3A_150 = arith.minsi %min3A_142, %max3A : i32
      %while3A = arith.constant 0 : i32
      %while3A_151 = arith.subi %min3A_142, %min3A_150 : i32
      %while3A_152 = arith.addi %min3A_150, %while3A_151 : i32
      %while3A_153 = arith.constant 1 : i32
      %while3A_154 = arith.divsi %while3A_151, %while3A_153 : i32
      %while3A_155 = arith.muli %while3A_154, %while3A_153 : i32
      %while3A_156 = arith.addi %min3A_150, %while3A_155 : i32
      %while3A_157 = arith.constant 1 : i32
      scf.for %while3A_595 = %min3A_150 to %while3A_156 step %while3A_157  : i32 {
        %swap3A = arith.index_cast %while3A_595 : i32 to index
        %swap3A_596 = arith.constant 0 : index
        %swap3A_597 = tpu.vector_load %arg8[%swap3A, %swap3A_596] {strides = array<i32>} : memref<128x64xf32, #tpu.memory_space<vmem>>, vector<1x16xf32>,
        %swap3A_598 = vector.shape_cast %swap3A_597 : vector<1x16xf32> to vector<16xf32>
        %swap3A_599 = vector.shape_cast %broadcast_in_dim3A_5 : vector<16xf32> to vector<1x16xf32>
        tpu.vector_store %arg8[%swap3A, %swap3A_596], %swap3A_599 {strides = array<i32>} : memref<128x64xf32, #tpu.memory_space<vmem>>, vector<1x16xf32>,
        %swap3A_600 = arith.index_cast %while3A_595 : i32 to index
        %swap3A_601 = arith.constant 16 : index
        %swap3A_602 = tpu.vector_load %arg8[%swap3A_600, %swap3A_601] {strides = array<i32>} : memref<128x64xf32, #tpu.memory_space<vmem>>, vector<1x16xf32>,
        %swap3A_603 = vector.shape_cast %swap3A_602 : vector<1x16xf32> to vector<16xf32>
        %swap3A_604 = vector.shape_cast %broadcast_in_dim3A_5 : vector<16xf32> to vector<1x16xf32>
        tpu.vector_store %arg8[%swap3A_600, %swap3A_601], %swap3A_604 {strides = array<i32>} : memref<128x64xf32, #tpu.memory_space<vmem>>, vector<1x16xf32>,
        %swap3A_605 = arith.index_cast %while3A_595 : i32 to index
        %swap3A_606 = arith.constant 32 : index
        %swap3A_607 = tpu.vector_load %arg8[%swap3A_605, %swap3A_606] {strides = array<i32>} : memref<128x64xf32, #tpu.memory_space<vmem>>, vector<1x16xf32>,
        %swap3A_608 = vector.shape_cast %swap3A_607 : vector<1x16xf32> to vector<16xf32>
        %swap3A_609 = vector.shape_cast %broadcast_in_dim3A_5 : vector<16xf32> to vector<1x16xf32>
        tpu.vector_store %arg8[%swap3A_605, %swap3A_606], %swap3A_609 {strides = array<i32>} : memref<128x64xf32, #tpu.memory_space<vmem>>, vector<1x16xf32>,
        %swap3A_610 = arith.index_cast %while3A_595 : i32 to index
        %swap3A_611 = arith.constant 48 : index
        %swap3A_612 = tpu.vector_load %arg8[%swap3A_610, %swap3A_611] {strides = array<i32>} : memref<128x64xf32, #tpu.memory_space<vmem>>, vector<1x16xf32>,
        %swap3A_613 = vector.shape_cast %swap3A_612 : vector<1x16xf32> to vector<16xf32>
        %swap3A_614 = vector.shape_cast %broadcast_in_dim3A_5 : vector<16xf32> to vector<1x16xf32>
        tpu.vector_store %arg8[%swap3A_610, %swap3A_611], %swap3A_614 {strides = array<i32>} : memref<128x64xf32, #tpu.memory_space<vmem>>, vector<1x16xf32>,
      }
      %while3A_158 = arith.constant 1 : i32
      scf.for %while3A_595 = %while3A_156 to %while3A_152 step %while3A_158  : i32 {
        %swap3A = arith.index_cast %while3A_595 : i32 to index
        %swap3A_596 = arith.constant 0 : index
        %swap3A_597 = tpu.vector_load %arg8[%swap3A, %swap3A_596] {strides = array<i32>} : memref<128x64xf32, #tpu.memory_space<vmem>>, vector<1x16xf32>,
        %swap3A_598 = vector.shape_cast %swap3A_597 : vector<1x16xf32> to vector<16xf32>
        %swap3A_599 = vector.shape_cast %broadcast_in_dim3A_5 : vector<16xf32> to vector<1x16xf32>
        tpu.vector_store %arg8[%swap3A, %swap3A_596], %swap3A_599 {strides = array<i32>} : memref<128x64xf32, #tpu.memory_space<vmem>>, vector<1x16xf32>,
        %swap3A_600 = arith.index_cast %while3A_595 : i32 to index
        %swap3A_601 = arith.constant 16 : index
        %swap3A_602 = tpu.vector_load %arg8[%swap3A_600, %swap3A_601] {strides = array<i32>} : memref<128x64xf32, #tpu.memory_space<vmem>>, vector<1x16xf32>,
        %swap3A_603 = vector.shape_cast %swap3A_602 : vector<1x16xf32> to vector<16xf32>
        %swap3A_604 = vector.shape_cast %broadcast_in_dim3A_5 : vector<16xf32> to vector<1x16xf32>
        tpu.vector_store %arg8[%swap3A_600, %swap3A_601], %swap3A_604 {strides = array<i32>} : memref<128x64xf32, #tpu.memory_space<vmem>>, vector<1x16xf32>,
        %swap3A_605 = arith.index_cast %while3A_595 : i32 to index
        %swap3A_606 = arith.constant 32 : index
        %swap3A_607 = tpu.vector_load %arg8[%swap3A_605, %swap3A_606] {strides = array<i32>} : memref<128x64xf32, #tpu.memory_space<vmem>>, vector<1x16xf32>,
        %swap3A_608 = vector.shape_cast %swap3A_607 : vector<1x16xf32> to vector<16xf32>
        %swap3A_609 = vector.shape_cast %broadcast_in_dim3A_5 : vector<16xf32> to vector<1x16xf32>
        tpu.vector_store %arg8[%swap3A_605, %swap3A_606], %swap3A_609 {strides = array<i32>} : memref<128x64xf32, #tpu.memory_space<vmem>>, vector<1x16xf32>,
        %swap3A_610 = arith.index_cast %while3A_595 : i32 to index
        %swap3A_611 = arith.constant 48 : index
        %swap3A_612 = tpu.vector_load %arg8[%swap3A_610, %swap3A_611] {strides = array<i32>} : memref<128x64xf32, #tpu.memory_space<vmem>>, vector<1x16xf32>,
        %swap3A_613 = vector.shape_cast %swap3A_612 : vector<1x16xf32> to vector<16xf32>
        %swap3A_614 = vector.shape_cast %broadcast_in_dim3A_5 : vector<16xf32> to vector<1x16xf32>
        tpu.vector_store %arg8[%swap3A_610, %swap3A_611], %swap3A_614 {strides = array<i32>} : memref<128x64xf32, #tpu.memory_space<vmem>>, vector<1x16xf32>,
      }
      %add3A_159 = arith.constant 1 : i32
      %add3A_160 = arith.addi %select_n3A, %add3A_159 : i32
      %min3A_161 = arith.constant 31 : i32
      %min3A_162 = arith.minsi %add3A_160, %min3A_161 : i32
      %get3A_163 = arith.index_cast %min3A_162 : i32 to index
      %get3A_164 = tpu.vector_load %arg7[%get3A_163] {strides = array<i32>} : memref<48xi32, #tpu.memory_space<vmem>>, vector<16xi32>,
      %get3A_165 = vector.shape_cast %get3A_164 : vector<16xi32> to vector<16xi32>
      %slice3A_166 = vector.extract_strided_slice %get3A_165 {offsets = [0], sizes = [1], strides = [1]} : vector<16xi32> to vector<1xi32>
      %squeeze3A_167 = vector.extract %slice3A_166[0] : i32 from vector<1xi32>
      %add3A_168 = arith.addi %min3A_142, %squeeze3A_167 : i32
      %min3A_169 = arith.constant 128 : i32
      %min3A_170 = arith.minsi %add3A_168, %min3A_169 : i32
      %while3A_171 = arith.constant 0 : i32
      %while3A_172 = arith.constant 128 : i32
      %while3A_173 = arith.subi %while3A_172, %min3A_170 : i32
      %while3A_174 = arith.addi %min3A_170, %while3A_173 : i32
      %while3A_175 = arith.constant 1 : i32
      %while3A_176 = arith.divsi %while3A_173, %while3A_175 : i32
      %while3A_177 = arith.muli %while3A_176, %while3A_175 : i32
      %while3A_178 = arith.addi %min3A_170, %while3A_177 : i32
      %while3A_179 = arith.constant 1 : i32
      scf.for %while3A_595 = %min3A_170 to %while3A_178 step %while3A_179  : i32 {
        %swap3A = arith.index_cast %while3A_595 : i32 to index
        %swap3A_596 = arith.constant 0 : index
        %swap3A_597 = tpu.vector_load %arg8[%swap3A, %swap3A_596] {strides = array<i32>} : memref<128x64xf32, #tpu.memory_space<vmem>>, vector<1x16xf32>,
        %swap3A_598 = vector.shape_cast %swap3A_597 : vector<1x16xf32> to vector<16xf32>
        %swap3A_599 = vector.shape_cast %broadcast_in_dim3A_5 : vector<16xf32> to vector<1x16xf32>
        tpu.vector_store %arg8[%swap3A, %swap3A_596], %swap3A_599 {strides = array<i32>} : memref<128x64xf32, #tpu.memory_space<vmem>>, vector<1x16xf32>,
        %swap3A_600 = arith.index_cast %while3A_595 : i32 to index
        %swap3A_601 = arith.constant 16 : index
        %swap3A_602 = tpu.vector_load %arg8[%swap3A_600, %swap3A_601] {strides = array<i32>} : memref<128x64xf32, #tpu.memory_space<vmem>>, vector<1x16xf32>,
        %swap3A_603 = vector.shape_cast %swap3A_602 : vector<1x16xf32> to vector<16xf32>
        %swap3A_604 = vector.shape_cast %broadcast_in_dim3A_5 : vector<16xf32> to vector<1x16xf32>
        tpu.vector_store %arg8[%swap3A_600, %swap3A_601], %swap3A_604 {strides = array<i32>} : memref<128x64xf32, #tpu.memory_space<vmem>>, vector<1x16xf32>,
        %swap3A_605 = arith.index_cast %while3A_595 : i32 to index
        %swap3A_606 = arith.constant 32 : index
        %swap3A_607 = tpu.vector_load %arg8[%swap3A_605, %swap3A_606] {strides = array<i32>} : memref<128x64xf32, #tpu.memory_space<vmem>>, vector<1x16xf32>,
        %swap3A_608 = vector.shape_cast %swap3A_607 : vector<1x16xf32> to vector<16xf32>
        %swap3A_609 = vector.shape_cast %broadcast_in_dim3A_5 : vector<16xf32> to vector<1x16xf32>
        tpu.vector_store %arg8[%swap3A_605, %swap3A_606], %swap3A_609 {strides = array<i32>} : memref<128x64xf32, #tpu.memory_space<vmem>>, vector<1x16xf32>,
        %swap3A_610 = arith.index_cast %while3A_595 : i32 to index
        %swap3A_611 = arith.constant 48 : index
        %swap3A_612 = tpu.vector_load %arg8[%swap3A_610, %swap3A_611] {strides = array<i32>} : memref<128x64xf32, #tpu.memory_space<vmem>>, vector<1x16xf32>,
        %swap3A_613 = vector.shape_cast %swap3A_612 : vector<1x16xf32> to vector<16xf32>
        %swap3A_614 = vector.shape_cast %broadcast_in_dim3A_5 : vector<16xf32> to vector<1x16xf32>
        tpu.vector_store %arg8[%swap3A_610, %swap3A_611], %swap3A_614 {strides = array<i32>} : memref<128x64xf32, #tpu.memory_space<vmem>>, vector<1x16xf32>,
      }
      %while3A_180 = arith.constant 1 : i32
      scf.for %while3A_595 = %while3A_178 to %while3A_174 step %while3A_180  : i32 {
        %swap3A = arith.index_cast %while3A_595 : i32 to index
        %swap3A_596 = arith.constant 0 : index
        %swap3A_597 = tpu.vector_load %arg8[%swap3A, %swap3A_596] {strides = array<i32>} : memref<128x64xf32, #tpu.memory_space<vmem>>, vector<1x16xf32>,
        %swap3A_598 = vector.shape_cast %swap3A_597 : vector<1x16xf32> to vector<16xf32>
        %swap3A_599 = vector.shape_cast %broadcast_in_dim3A_5 : vector<16xf32> to vector<1x16xf32>
        tpu.vector_store %arg8[%swap3A, %swap3A_596], %swap3A_599 {strides = array<i32>} : memref<128x64xf32, #tpu.memory_space<vmem>>, vector<1x16xf32>,
        %swap3A_600 = arith.index_cast %while3A_595 : i32 to index
        %swap3A_601 = arith.constant 16 : index
        %swap3A_602 = tpu.vector_load %arg8[%swap3A_600, %swap3A_601] {strides = array<i32>} : memref<128x64xf32, #tpu.memory_space<vmem>>, vector<1x16xf32>,
        %swap3A_603 = vector.shape_cast %swap3A_602 : vector<1x16xf32> to vector<16xf32>
        %swap3A_604 = vector.shape_cast %broadcast_in_dim3A_5 : vector<16xf32> to vector<1x16xf32>
        tpu.vector_store %arg8[%swap3A_600, %swap3A_601], %swap3A_604 {strides = array<i32>} : memref<128x64xf32, #tpu.memory_space<vmem>>, vector<1x16xf32>,
        %swap3A_605 = arith.index_cast %while3A_595 : i32 to index
        %swap3A_606 = arith.constant 32 : index
        %swap3A_607 = tpu.vector_load %arg8[%swap3A_605, %swap3A_606] {strides = array<i32>} : memref<128x64xf32, #tpu.memory_space<vmem>>, vector<1x16xf32>,
        %swap3A_608 = vector.shape_cast %swap3A_607 : vector<1x16xf32> to vector<16xf32>
        %swap3A_609 = vector.shape_cast %broadcast_in_dim3A_5 : vector<16xf32> to vector<1x16xf32>
        tpu.vector_store %arg8[%swap3A_605, %swap3A_606], %swap3A_609 {strides = array<i32>} : memref<128x64xf32, #tpu.memory_space<vmem>>, vector<1x16xf32>,
        %swap3A_610 = arith.index_cast %while3A_595 : i32 to index
        %swap3A_611 = arith.constant 48 : index
        %swap3A_612 = tpu.vector_load %arg8[%swap3A_610, %swap3A_611] {strides = array<i32>} : memref<128x64xf32, #tpu.memory_space<vmem>>, vector<1x16xf32>,
        %swap3A_613 = vector.shape_cast %swap3A_612 : vector<1x16xf32> to vector<16xf32>
        %swap3A_614 = vector.shape_cast %broadcast_in_dim3A_5 : vector<16xf32> to vector<1x16xf32>
        tpu.vector_store %arg8[%swap3A_610, %swap3A_611], %swap3A_614 {strides = array<i32>} : memref<128x64xf32, #tpu.memory_space<vmem>>, vector<1x16xf32>,
      }
      %add3A_181 = arith.constant 0 : i32
      %add3A_182 = arith.addi %mul3A_106, %add3A_181 : i32
      %mul3A_183 = arith.constant 128 : i32
      %mul3A_184 = arith.muli %add3A_182, %mul3A_183 : i32
      %add3A_185 = arith.addi %mul3A_2, %mul3A_184 : i32
      %dma_start3A_186 = arith.constant 0 : i32
      %dma_start3A_187 = arith.constant 0 : i32
      %dma_start3A_188 = tpu.memref_slice %arg5[%add3A_185, %dma_start3A_187] : memref<204800x128xf32, #tpu.memory_space<hbm>> -> memref<128x64xf32, #tpu.memory_space<hbm>>
      %dma_start3A_189 = tpu.memref_slice %arg14[%dma_start3A_186] : memref<5x!tpu.dma_semaphore, #tpu.memory_space<semaphore_mem>> -> memref<1x!tpu.dma_semaphore, #tpu.memory_space<semaphore_mem>>
      %dma_start3A_190 = tpu.memref_squeeze %dma_start3A_189 : memref<1x!tpu.dma_semaphore, #tpu.memory_space<semaphore_mem>> -> memref<!tpu.dma_semaphore, #tpu.memory_space<semaphore_mem>>
      %dma_start3A_191 = arith.constant 0 : i32
      %dma_start3A_192 = tpu.memref_slice %arg5[%add3A_185, %dma_start3A_191] : memref<204800x128xf32, #tpu.memory_space<hbm>> -> memref<128x64xf32, #tpu.memory_space<hbm>>
      tpu.enqueue_dma source(%arg8 : memref<128x64xf32, #tpu.memory_space<vmem>>) target(%dma_start3A_192 : memref<128x64xf32, #tpu.memory_space<hbm>>) target_semaphore(%dma_start3A_190 : memref<!tpu.dma_semaphore, #tpu.memory_space<semaphore_mem>>)
      %dma_wait3A_193 = arith.constant 0 : i32
      %dma_wait3A_194 = arith.constant 1 : i32
      %dma_wait3A_195 = arith.constant 0 : i32
      %dma_wait3A_196 = tpu.memref_slice %arg6[%dma_wait3A_193, %dma_wait3A_195] : memref<50x128xi32, #tpu.memory_space<vmem>> -> memref<1x128xi32, #tpu.memory_space<vmem>>
      %dma_wait3A_197 = tpu.memref_squeeze %dma_wait3A_196 : memref<1x128xi32, #tpu.memory_space<vmem>> -> memref<128xi32, #tpu.memory_space<vmem>>
      %dma_wait3A_198 = arith.constant 0 : i32
      %dma_wait3A_199 = arith.constant 0 : i32
      %dma_wait3A_200 = tpu.memref_slice %arg4[%dma_wait3A_198, %dma_wait3A_199] : memref<1000000x64xf32, #tpu.memory_space<hbm>> -> memref<1000000x64xf32, #tpu.memory_space<hbm>>
      %dma_wait3A_201 = tpu.memref_slice %arg13[%dma_wait3A_194] : memref<5x!tpu.dma_semaphore, #tpu.memory_space<semaphore_mem>> -> memref<1x!tpu.dma_semaphore, #tpu.memory_space<semaphore_mem>>
      %dma_wait3A_202 = tpu.memref_squeeze %dma_wait3A_201 : memref<1x!tpu.dma_semaphore, #tpu.memory_space<semaphore_mem>> -> memref<!tpu.dma_semaphore, #tpu.memory_space<semaphore_mem>>
      tpu.wait_indirect_dma semaphore(%dma_wait3A_202 : memref<!tpu.dma_semaphore, #tpu.memory_space<semaphore_mem>>) src(%dma_wait3A_200 : memref<1000000x64xf32, #tpu.memory_space<hbm>>) dst(%arg9 : memref<128x64xf32, #tpu.memory_space<vmem>>)
      %add3A_203 = arith.constant 1 : i32
      %add3A_204 = arith.addi %mul3A_106, %add3A_203 : i32
      %mul3A_205 = arith.constant 128 : i32
      %mul3A_206 = arith.muli %add3A_204, %mul3A_205 : i32
      %jit3A_207 = arith.constant 200 : i32
      %div3A_208 = arith.divsi %mul3A_206, %jit3A_207 : i32
      %sign3A_209 = arith.constant 0 : i32
      %sign3A_210 = arith.cmpi sgt, %mul3A_206, %sign3A_209 : i32
      %sign3A_211 = arith.extui %sign3A_210 : i1 to i32
      %sign3A_212 = arith.constant 0 : i32
      %sign3A_213 = arith.cmpi slt, %mul3A_206, %sign3A_212 : i32
      %sign3A_214 = arith.extui %sign3A_213 : i1 to i32
      %sign3A_215 = arith.subi %sign3A_211, %sign3A_214 : i32
      %sign3A_216 = arith.constant 0 : i32
      %sign3A_217 = arith.cmpi sgt, %jit3A_207, %sign3A_216 : i32
      %sign3A_218 = arith.extui %sign3A_217 : i1 to i32
      %sign3A_219 = arith.constant 0 : i32
      %sign3A_220 = arith.cmpi slt, %jit3A_207, %sign3A_219 : i32
      %sign3A_221 = arith.extui %sign3A_220 : i1 to i32
      %sign3A_222 = arith.subi %sign3A_218, %sign3A_221 : i32
      %ne3A_223 = arith.cmpi ne, %sign3A_215, %sign3A_222 : i32
      %rem3A_224 = arith.remsi %mul3A_206, %jit3A_207 : i32
      %ne3A_225 = arith.constant 0 : i32
      %ne3A_226 = arith.cmpi ne, %rem3A_224, %ne3A_225 : i32
      %and3A_227 = arith.andi %ne3A_223, %ne3A_226 : i1
      %sub3A_228 = arith.constant 1 : i32
      %sub3A_229 = arith.subi %div3A_208, %sub3A_228 : i32
      %select_n3A_230 = arith.select %and3A_227, %sub3A_229, %div3A_208 : i32
      %add3A_231 = arith.constant 1 : i32
      %add3A_232 = arith.addi %select_n3A_230, %add3A_231 : i32
      %mul3A_233 = arith.constant 200 : i32
      %mul3A_234 = arith.muli %add3A_232, %mul3A_233 : i32
      %sub3A_235 = arith.subi %mul3A_234, %mul3A_206 : i32
      %min3A_236 = arith.constant 128 : i32
      %min3A_237 = arith.minsi %min3A_236, %sub3A_235 : i32
      %mul3A_238 = arith.constant 200 : i32
      %mul3A_239 = arith.muli %select_n3A_230, %mul3A_238 : i32
      %get3A_240 = arith.index_cast %select_n3A_230 : i32 to index
      %get3A_241 = tpu.vector_load %arg7[%get3A_240] {strides = array<i32>} : memref<48xi32, #tpu.memory_space<vmem>>, vector<16xi32>,
      %get3A_242 = vector.shape_cast %get3A_241 : vector<16xi32> to vector<16xi32>
      %slice3A_243 = vector.extract_strided_slice %get3A_242 {offsets = [0], sizes = [1], strides = [1]} : vector<16xi32> to vector<1xi32>
      %squeeze3A_244 = vector.extract %slice3A_243[0] : i32 from vector<1xi32>
      %add3A_245 = arith.addi %mul3A_239, %squeeze3A_244 : i32
      %sub3A_246 = arith.subi %add3A_245, %mul3A_206 : i32
      %jit3A_247 = arith.constant 0 : i32
      %max3A_248 = arith.maxsi %jit3A_247, %sub3A_246 : i32
      %min3A_249 = arith.minsi %min3A_237, %max3A_248 : i32
      %while3A_250 = arith.constant 0 : i32
      %while3A_251 = arith.subi %min3A_237, %min3A_249 : i32
      %while3A_252 = arith.addi %min3A_249, %while3A_251 : i32
      %while3A_253 = arith.constant 1 : i32
      %while3A_254 = arith.divsi %while3A_251, %while3A_253 : i32
      %while3A_255 = arith.muli %while3A_254, %while3A_253 : i32
      %while3A_256 = arith.addi %min3A_249, %while3A_255 : i32
      %while3A_257 = arith.constant 1 : i32
      scf.for %while3A_595 = %min3A_249 to %while3A_256 step %while3A_257  : i32 {
        %swap3A = arith.index_cast %while3A_595 : i32 to index
        %swap3A_596 = arith.constant 0 : index
        %swap3A_597 = tpu.vector_load %arg9[%swap3A, %swap3A_596] {strides = array<i32>} : memref<128x64xf32, #tpu.memory_space<vmem>>, vector<1x16xf32>,
        %swap3A_598 = vector.shape_cast %swap3A_597 : vector<1x16xf32> to vector<16xf32>
        %swap3A_599 = vector.shape_cast %broadcast_in_dim3A_5 : vector<16xf32> to vector<1x16xf32>
        tpu.vector_store %arg9[%swap3A, %swap3A_596], %swap3A_599 {strides = array<i32>} : memref<128x64xf32, #tpu.memory_space<vmem>>, vector<1x16xf32>,
        %swap3A_600 = arith.index_cast %while3A_595 : i32 to index
        %swap3A_601 = arith.constant 16 : index
        %swap3A_602 = tpu.vector_load %arg9[%swap3A_600, %swap3A_601] {strides = array<i32>} : memref<128x64xf32, #tpu.memory_space<vmem>>, vector<1x16xf32>,
        %swap3A_603 = vector.shape_cast %swap3A_602 : vector<1x16xf32> to vector<16xf32>
        %swap3A_604 = vector.shape_cast %broadcast_in_dim3A_5 : vector<16xf32> to vector<1x16xf32>
        tpu.vector_store %arg9[%swap3A_600, %swap3A_601], %swap3A_604 {strides = array<i32>} : memref<128x64xf32, #tpu.memory_space<vmem>>, vector<1x16xf32>,
        %swap3A_605 = arith.index_cast %while3A_595 : i32 to index
        %swap3A_606 = arith.constant 32 : index
        %swap3A_607 = tpu.vector_load %arg9[%swap3A_605, %swap3A_606] {strides = array<i32>} : memref<128x64xf32, #tpu.memory_space<vmem>>, vector<1x16xf32>,
        %swap3A_608 = vector.shape_cast %swap3A_607 : vector<1x16xf32> to vector<16xf32>
        %swap3A_609 = vector.shape_cast %broadcast_in_dim3A_5 : vector<16xf32> to vector<1x16xf32>
        tpu.vector_store %arg9[%swap3A_605, %swap3A_606], %swap3A_609 {strides = array<i32>} : memref<128x64xf32, #tpu.memory_space<vmem>>, vector<1x16xf32>,
        %swap3A_610 = arith.index_cast %while3A_595 : i32 to index
        %swap3A_611 = arith.constant 48 : index
        %swap3A_612 = tpu.vector_load %arg9[%swap3A_610, %swap3A_611] {strides = array<i32>} : memref<128x64xf32, #tpu.memory_space<vmem>>, vector<1x16xf32>,
        %swap3A_613 = vector.shape_cast %swap3A_612 : vector<1x16xf32> to vector<16xf32>
        %swap3A_614 = vector.shape_cast %broadcast_in_dim3A_5 : vector<16xf32> to vector<1x16xf32>
        tpu.vector_store %arg9[%swap3A_610, %swap3A_611], %swap3A_614 {strides = array<i32>} : memref<128x64xf32, #tpu.memory_space<vmem>>, vector<1x16xf32>,
      }
      %while3A_258 = arith.constant 1 : i32
      scf.for %while3A_595 = %while3A_256 to %while3A_252 step %while3A_258  : i32 {
        %swap3A = arith.index_cast %while3A_595 : i32 to index
        %swap3A_596 = arith.constant 0 : index
        %swap3A_597 = tpu.vector_load %arg9[%swap3A, %swap3A_596] {strides = array<i32>} : memref<128x64xf32, #tpu.memory_space<vmem>>, vector<1x16xf32>,
        %swap3A_598 = vector.shape_cast %swap3A_597 : vector<1x16xf32> to vector<16xf32>
        %swap3A_599 = vector.shape_cast %broadcast_in_dim3A_5 : vector<16xf32> to vector<1x16xf32>
        tpu.vector_store %arg9[%swap3A, %swap3A_596], %swap3A_599 {strides = array<i32>} : memref<128x64xf32, #tpu.memory_space<vmem>>, vector<1x16xf32>,
        %swap3A_600 = arith.index_cast %while3A_595 : i32 to index
        %swap3A_601 = arith.constant 16 : index
        %swap3A_602 = tpu.vector_load %arg9[%swap3A_600, %swap3A_601] {strides = array<i32>} : memref<128x64xf32, #tpu.memory_space<vmem>>, vector<1x16xf32>,
        %swap3A_603 = vector.shape_cast %swap3A_602 : vector<1x16xf32> to vector<16xf32>
        %swap3A_604 = vector.shape_cast %broadcast_in_dim3A_5 : vector<16xf32> to vector<1x16xf32>
        tpu.vector_store %arg9[%swap3A_600, %swap3A_601], %swap3A_604 {strides = array<i32>} : memref<128x64xf32, #tpu.memory_space<vmem>>, vector<1x16xf32>,
        %swap3A_605 = arith.index_cast %while3A_595 : i32 to index
        %swap3A_606 = arith.constant 32 : index
        %swap3A_607 = tpu.vector_load %arg9[%swap3A_605, %swap3A_606] {strides = array<i32>} : memref<128x64xf32, #tpu.memory_space<vmem>>, vector<1x16xf32>,
        %swap3A_608 = vector.shape_cast %swap3A_607 : vector<1x16xf32> to vector<16xf32>
        %swap3A_609 = vector.shape_cast %broadcast_in_dim3A_5 : vector<16xf32> to vector<1x16xf32>
        tpu.vector_store %arg9[%swap3A_605, %swap3A_606], %swap3A_609 {strides = array<i32>} : memref<128x64xf32, #tpu.memory_space<vmem>>, vector<1x16xf32>,
        %swap3A_610 = arith.index_cast %while3A_595 : i32 to index
        %swap3A_611 = arith.constant 48 : index
        %swap3A_612 = tpu.vector_load %arg9[%swap3A_610, %swap3A_611] {strides = array<i32>} : memref<128x64xf32, #tpu.memory_space<vmem>>, vector<1x16xf32>,
        %swap3A_613 = vector.shape_cast %swap3A_612 : vector<1x16xf32> to vector<16xf32>
        %swap3A_614 = vector.shape_cast %broadcast_in_dim3A_5 : vector<16xf32> to vector<1x16xf32>
        tpu.vector_store %arg9[%swap3A_610, %swap3A_611], %swap3A_614 {strides = array<i32>} : memref<128x64xf32, #tpu.memory_space<vmem>>, vector<1x16xf32>,
      }
      %add3A_259 = arith.constant 1 : i32
      %add3A_260 = arith.addi %select_n3A_230, %add3A_259 : i32
      %min3A_261 = arith.constant 31 : i32
      %min3A_262 = arith.minsi %add3A_260, %min3A_261 : i32
      %get3A_263 = arith.index_cast %min3A_262 : i32 to index
      %get3A_264 = tpu.vector_load %arg7[%get3A_263] {strides = array<i32>} : memref<48xi32, #tpu.memory_space<vmem>>, vector<16xi32>,
      %get3A_265 = vector.shape_cast %get3A_264 : vector<16xi32> to vector<16xi32>
      %slice3A_266 = vector.extract_strided_slice %get3A_265 {offsets = [0], sizes = [1], strides = [1]} : vector<16xi32> to vector<1xi32>
      %squeeze3A_267 = vector.extract %slice3A_266[0] : i32 from vector<1xi32>
      %add3A_268 = arith.addi %min3A_237, %squeeze3A_267 : i32
      %min3A_269 = arith.constant 128 : i32
      %min3A_270 = arith.minsi %add3A_268, %min3A_269 : i32
      %while3A_271 = arith.constant 0 : i32
      %while3A_272 = arith.constant 128 : i32
      %while3A_273 = arith.subi %while3A_272, %min3A_270 : i32
      %while3A_274 = arith.addi %min3A_270, %while3A_273 : i32
      %while3A_275 = arith.constant 1 : i32
      %while3A_276 = arith.divsi %while3A_273, %while3A_275 : i32
      %while3A_277 = arith.muli %while3A_276, %while3A_275 : i32
      %while3A_278 = arith.addi %min3A_270, %while3A_277 : i32
      %while3A_279 = arith.constant 1 : i32
      scf.for %while3A_595 = %min3A_270 to %while3A_278 step %while3A_279  : i32 {
        %swap3A = arith.index_cast %while3A_595 : i32 to index
        %swap3A_596 = arith.constant 0 : index
        %swap3A_597 = tpu.vector_load %arg9[%swap3A, %swap3A_596] {strides = array<i32>} : memref<128x64xf32, #tpu.memory_space<vmem>>, vector<1x16xf32>,
        %swap3A_598 = vector.shape_cast %swap3A_597 : vector<1x16xf32> to vector<16xf32>
        %swap3A_599 = vector.shape_cast %broadcast_in_dim3A_5 : vector<16xf32> to vector<1x16xf32>
        tpu.vector_store %arg9[%swap3A, %swap3A_596], %swap3A_599 {strides = array<i32>} : memref<128x64xf32, #tpu.memory_space<vmem>>, vector<1x16xf32>,
        %swap3A_600 = arith.index_cast %while3A_595 : i32 to index
        %swap3A_601 = arith.constant 16 : index
        %swap3A_602 = tpu.vector_load %arg9[%swap3A_600, %swap3A_601] {strides = array<i32>} : memref<128x64xf32, #tpu.memory_space<vmem>>, vector<1x16xf32>,
        %swap3A_603 = vector.shape_cast %swap3A_602 : vector<1x16xf32> to vector<16xf32>
        %swap3A_604 = vector.shape_cast %broadcast_in_dim3A_5 : vector<16xf32> to vector<1x16xf32>
        tpu.vector_store %arg9[%swap3A_600, %swap3A_601], %swap3A_604 {strides = array<i32>} : memref<128x64xf32, #tpu.memory_space<vmem>>, vector<1x16xf32>,
        %swap3A_605 = arith.index_cast %while3A_595 : i32 to index
        %swap3A_606 = arith.constant 32 : index
        %swap3A_607 = tpu.vector_load %arg9[%swap3A_605, %swap3A_606] {strides = array<i32>} : memref<128x64xf32, #tpu.memory_space<vmem>>, vector<1x16xf32>,
        %swap3A_608 = vector.shape_cast %swap3A_607 : vector<1x16xf32> to vector<16xf32>
        %swap3A_609 = vector.shape_cast %broadcast_in_dim3A_5 : vector<16xf32> to vector<1x16xf32>
        tpu.vector_store %arg9[%swap3A_605, %swap3A_606], %swap3A_609 {strides = array<i32>} : memref<128x64xf32, #tpu.memory_space<vmem>>, vector<1x16xf32>,
        %swap3A_610 = arith.index_cast %while3A_595 : i32 to index
        %swap3A_611 = arith.constant 48 : index
        %swap3A_612 = tpu.vector_load %arg9[%swap3A_610, %swap3A_611] {strides = array<i32>} : memref<128x64xf32, #tpu.memory_space<vmem>>, vector<1x16xf32>,
        %swap3A_613 = vector.shape_cast %swap3A_612 : vector<1x16xf32> to vector<16xf32>
        %swap3A_614 = vector.shape_cast %broadcast_in_dim3A_5 : vector<16xf32> to vector<1x16xf32>
        tpu.vector_store %arg9[%swap3A_610, %swap3A_611], %swap3A_614 {strides = array<i32>} : memref<128x64xf32, #tpu.memory_space<vmem>>, vector<1x16xf32>,
      }
      %while3A_280 = arith.constant 1 : i32
      scf.for %while3A_595 = %while3A_278 to %while3A_274 step %while3A_280  : i32 {
        %swap3A = arith.index_cast %while3A_595 : i32 to index
        %swap3A_596 = arith.constant 0 : index
        %swap3A_597 = tpu.vector_load %arg9[%swap3A, %swap3A_596] {strides = array<i32>} : memref<128x64xf32, #tpu.memory_space<vmem>>, vector<1x16xf32>,
        %swap3A_598 = vector.shape_cast %swap3A_597 : vector<1x16xf32> to vector<16xf32>
        %swap3A_599 = vector.shape_cast %broadcast_in_dim3A_5 : vector<16xf32> to vector<1x16xf32>
        tpu.vector_store %arg9[%swap3A, %swap3A_596], %swap3A_599 {strides = array<i32>} : memref<128x64xf32, #tpu.memory_space<vmem>>, vector<1x16xf32>,
        %swap3A_600 = arith.index_cast %while3A_595 : i32 to index
        %swap3A_601 = arith.constant 16 : index
        %swap3A_602 = tpu.vector_load %arg9[%swap3A_600, %swap3A_601] {strides = array<i32>} : memref<128x64xf32, #tpu.memory_space<vmem>>, vector<1x16xf32>,
        %swap3A_603 = vector.shape_cast %swap3A_602 : vector<1x16xf32> to vector<16xf32>
        %swap3A_604 = vector.shape_cast %broadcast_in_dim3A_5 : vector<16xf32> to vector<1x16xf32>
        tpu.vector_store %arg9[%swap3A_600, %swap3A_601], %swap3A_604 {strides = array<i32>} : memref<128x64xf32, #tpu.memory_space<vmem>>, vector<1x16xf32>,
        %swap3A_605 = arith.index_cast %while3A_595 : i32 to index
        %swap3A_606 = arith.constant 32 : index
        %swap3A_607 = tpu.vector_load %arg9[%swap3A_605, %swap3A_606] {strides = array<i32>} : memref<128x64xf32, #tpu.memory_space<vmem>>, vector<1x16xf32>,
        %swap3A_608 = vector.shape_cast %swap3A_607 : vector<1x16xf32> to vector<16xf32>
        %swap3A_609 = vector.shape_cast %broadcast_in_dim3A_5 : vector<16xf32> to vector<1x16xf32>
        tpu.vector_store %arg9[%swap3A_605, %swap3A_606], %swap3A_609 {strides = array<i32>} : memref<128x64xf32, #tpu.memory_space<vmem>>, vector<1x16xf32>,
        %swap3A_610 = arith.index_cast %while3A_595 : i32 to index
        %swap3A_611 = arith.constant 48 : index
        %swap3A_612 = tpu.vector_load %arg9[%swap3A_610, %swap3A_611] {strides = array<i32>} : memref<128x64xf32, #tpu.memory_space<vmem>>, vector<1x16xf32>,
        %swap3A_613 = vector.shape_cast %swap3A_612 : vector<1x16xf32> to vector<16xf32>
        %swap3A_614 = vector.shape_cast %broadcast_in_dim3A_5 : vector<16xf32> to vector<1x16xf32>
        tpu.vector_store %arg9[%swap3A_610, %swap3A_611], %swap3A_614 {strides = array<i32>} : memref<128x64xf32, #tpu.memory_space<vmem>>, vector<1x16xf32>,
      }
      %add3A_281 = arith.constant 1 : i32
      %add3A_282 = arith.addi %mul3A_106, %add3A_281 : i32
      %mul3A_283 = arith.constant 128 : i32
      %mul3A_284 = arith.muli %add3A_282, %mul3A_283 : i32
      %add3A_285 = arith.addi %mul3A_2, %mul3A_284 : i32
      %dma_start3A_286 = arith.constant 1 : i32
      %dma_start3A_287 = arith.constant 0 : i32
      %dma_start3A_288 = tpu.memref_slice %arg5[%add3A_285, %dma_start3A_287] : memref<204800x128xf32, #tpu.memory_space<hbm>> -> memref<128x64xf32, #tpu.memory_space<hbm>>
      %dma_start3A_289 = tpu.memref_slice %arg14[%dma_start3A_286] : memref<5x!tpu.dma_semaphore, #tpu.memory_space<semaphore_mem>> -> memref<1x!tpu.dma_semaphore, #tpu.memory_space<semaphore_mem>>
      %dma_start3A_290 = tpu.memref_squeeze %dma_start3A_289 : memref<1x!tpu.dma_semaphore, #tpu.memory_space<semaphore_mem>> -> memref<!tpu.dma_semaphore, #tpu.memory_space<semaphore_mem>>
      %dma_start3A_291 = arith.constant 0 : i32
      %dma_start3A_292 = tpu.memref_slice %arg5[%add3A_285, %dma_start3A_291] : memref<204800x128xf32, #tpu.memory_space<hbm>> -> memref<128x64xf32, #tpu.memory_space<hbm>>
      tpu.enqueue_dma source(%arg9 : memref<128x64xf32, #tpu.memory_space<vmem>>) target(%dma_start3A_292 : memref<128x64xf32, #tpu.memory_space<hbm>>) target_semaphore(%dma_start3A_290 : memref<!tpu.dma_semaphore, #tpu.memory_space<semaphore_mem>>)
      %dma_wait3A_293 = arith.constant 0 : i32
      %dma_wait3A_294 = arith.constant 2 : i32
      %dma_wait3A_295 = arith.constant 0 : i32
      %dma_wait3A_296 = tpu.memref_slice %arg6[%dma_wait3A_293, %dma_wait3A_295] : memref<50x128xi32, #tpu.memory_space<vmem>> -> memref<1x128xi32, #tpu.memory_space<vmem>>
      %dma_wait3A_297 = tpu.memref_squeeze %dma_wait3A_296 : memref<1x128xi32, #tpu.memory_space<vmem>> -> memref<128xi32, #tpu.memory_space<vmem>>
      %dma_wait3A_298 = arith.constant 0 : i32
      %dma_wait3A_299 = arith.constant 0 : i32
      %dma_wait3A_300 = tpu.memref_slice %arg4[%dma_wait3A_298, %dma_wait3A_299] : memref<1000000x64xf32, #tpu.memory_space<hbm>> -> memref<1000000x64xf32, #tpu.memory_space<hbm>>
      %dma_wait3A_301 = tpu.memref_slice %arg13[%dma_wait3A_294] : memref<5x!tpu.dma_semaphore, #tpu.memory_space<semaphore_mem>> -> memref<1x!tpu.dma_semaphore, #tpu.memory_space<semaphore_mem>>
      %dma_wait3A_302 = tpu.memref_squeeze %dma_wait3A_301 : memref<1x!tpu.dma_semaphore, #tpu.memory_space<semaphore_mem>> -> memref<!tpu.dma_semaphore, #tpu.memory_space<semaphore_mem>>
      tpu.wait_indirect_dma semaphore(%dma_wait3A_302 : memref<!tpu.dma_semaphore, #tpu.memory_space<semaphore_mem>>) src(%dma_wait3A_300 : memref<1000000x64xf32, #tpu.memory_space<hbm>>) dst(%arg10 : memref<128x64xf32, #tpu.memory_space<vmem>>)
      %add3A_303 = arith.constant 2 : i32
      %add3A_304 = arith.addi %mul3A_106, %add3A_303 : i32
      %mul3A_305 = arith.constant 128 : i32
      %mul3A_306 = arith.muli %add3A_304, %mul3A_305 : i32
      %jit3A_307 = arith.constant 200 : i32
      %div3A_308 = arith.divsi %mul3A_306, %jit3A_307 : i32
      %sign3A_309 = arith.constant 0 : i32
      %sign3A_310 = arith.cmpi sgt, %mul3A_306, %sign3A_309 : i32
      %sign3A_311 = arith.extui %sign3A_310 : i1 to i32
      %sign3A_312 = arith.constant 0 : i32
      %sign3A_313 = arith.cmpi slt, %mul3A_306, %sign3A_312 : i32
      %sign3A_314 = arith.extui %sign3A_313 : i1 to i32
      %sign3A_315 = arith.subi %sign3A_311, %sign3A_314 : i32
      %sign3A_316 = arith.constant 0 : i32
      %sign3A_317 = arith.cmpi sgt, %jit3A_307, %sign3A_316 : i32
      %sign3A_318 = arith.extui %sign3A_317 : i1 to i32
      %sign3A_319 = arith.constant 0 : i32
      %sign3A_320 = arith.cmpi slt, %jit3A_307, %sign3A_319 : i32
      %sign3A_321 = arith.extui %sign3A_320 : i1 to i32
      %sign3A_322 = arith.subi %sign3A_318, %sign3A_321 : i32
      %ne3A_323 = arith.cmpi ne, %sign3A_315, %sign3A_322 : i32
      %rem3A_324 = arith.remsi %mul3A_306, %jit3A_307 : i32
      %ne3A_325 = arith.constant 0 : i32
      %ne3A_326 = arith.cmpi ne, %rem3A_324, %ne3A_325 : i32
      %and3A_327 = arith.andi %ne3A_323, %ne3A_326 : i1
      %sub3A_328 = arith.constant 1 : i32
      %sub3A_329 = arith.subi %div3A_308, %sub3A_328 : i32
      %select_n3A_330 = arith.select %and3A_327, %sub3A_329, %div3A_308 : i32
      %add3A_331 = arith.constant 1 : i32
      %add3A_332 = arith.addi %select_n3A_330, %add3A_331 : i32
      %mul3A_333 = arith.constant 200 : i32
      %mul3A_334 = arith.muli %add3A_332, %mul3A_333 : i32
      %sub3A_335 = arith.subi %mul3A_334, %mul3A_306 : i32
      %min3A_336 = arith.constant 128 : i32
      %min3A_337 = arith.minsi %min3A_336, %sub3A_335 : i32
      %mul3A_338 = arith.constant 200 : i32
      %mul3A_339 = arith.muli %select_n3A_330, %mul3A_338 : i32
      %get3A_340 = arith.index_cast %select_n3A_330 : i32 to index
      %get3A_341 = tpu.vector_load %arg7[%get3A_340] {strides = array<i32>} : memref<48xi32, #tpu.memory_space<vmem>>, vector<16xi32>,
      %get3A_342 = vector.shape_cast %get3A_341 : vector<16xi32> to vector<16xi32>
      %slice3A_343 = vector.extract_strided_slice %get3A_342 {offsets = [0], sizes = [1], strides = [1]} : vector<16xi32> to vector<1xi32>
      %squeeze3A_344 = vector.extract %slice3A_343[0] : i32 from vector<1xi32>
      %add3A_345 = arith.addi %mul3A_339, %squeeze3A_344 : i32
      %sub3A_346 = arith.subi %add3A_345, %mul3A_306 : i32
      %jit3A_347 = arith.constant 0 : i32
      %max3A_348 = arith.maxsi %jit3A_347, %sub3A_346 : i32
      %min3A_349 = arith.minsi %min3A_337, %max3A_348 : i32
      %while3A_350 = arith.constant 0 : i32
      %while3A_351 = arith.subi %min3A_337, %min3A_349 : i32
      %while3A_352 = arith.addi %min3A_349, %while3A_351 : i32
      %while3A_353 = arith.constant 1 : i32
      %while3A_354 = arith.divsi %while3A_351, %while3A_353 : i32
      %while3A_355 = arith.muli %while3A_354, %while3A_353 : i32
      %while3A_356 = arith.addi %min3A_349, %while3A_355 : i32
      %while3A_357 = arith.constant 1 : i32
      scf.for %while3A_595 = %min3A_349 to %while3A_356 step %while3A_357  : i32 {
        %swap3A = arith.index_cast %while3A_595 : i32 to index
        %swap3A_596 = arith.constant 0 : index
        %swap3A_597 = tpu.vector_load %arg10[%swap3A, %swap3A_596] {strides = array<i32>} : memref<128x64xf32, #tpu.memory_space<vmem>>, vector<1x16xf32>,
        %swap3A_598 = vector.shape_cast %swap3A_597 : vector<1x16xf32> to vector<16xf32>
        %swap3A_599 = vector.shape_cast %broadcast_in_dim3A_5 : vector<16xf32> to vector<1x16xf32>
        tpu.vector_store %arg10[%swap3A, %swap3A_596], %swap3A_599 {strides = array<i32>} : memref<128x64xf32, #tpu.memory_space<vmem>>, vector<1x16xf32>,
        %swap3A_600 = arith.index_cast %while3A_595 : i32 to index
        %swap3A_601 = arith.constant 16 : index
        %swap3A_602 = tpu.vector_load %arg10[%swap3A_600, %swap3A_601] {strides = array<i32>} : memref<128x64xf32, #tpu.memory_space<vmem>>, vector<1x16xf32>,
        %swap3A_603 = vector.shape_cast %swap3A_602 : vector<1x16xf32> to vector<16xf32>
        %swap3A_604 = vector.shape_cast %broadcast_in_dim3A_5 : vector<16xf32> to vector<1x16xf32>
        tpu.vector_store %arg10[%swap3A_600, %swap3A_601], %swap3A_604 {strides = array<i32>} : memref<128x64xf32, #tpu.memory_space<vmem>>, vector<1x16xf32>,
        %swap3A_605 = arith.index_cast %while3A_595 : i32 to index
        %swap3A_606 = arith.constant 32 : index
        %swap3A_607 = tpu.vector_load %arg10[%swap3A_605, %swap3A_606] {strides = array<i32>} : memref<128x64xf32, #tpu.memory_space<vmem>>, vector<1x16xf32>,
        %swap3A_608 = vector.shape_cast %swap3A_607 : vector<1x16xf32> to vector<16xf32>
        %swap3A_609 = vector.shape_cast %broadcast_in_dim3A_5 : vector<16xf32> to vector<1x16xf32>
        tpu.vector_store %arg10[%swap3A_605, %swap3A_606], %swap3A_609 {strides = array<i32>} : memref<128x64xf32, #tpu.memory_space<vmem>>, vector<1x16xf32>,
        %swap3A_610 = arith.index_cast %while3A_595 : i32 to index
        %swap3A_611 = arith.constant 48 : index
        %swap3A_612 = tpu.vector_load %arg10[%swap3A_610, %swap3A_611] {strides = array<i32>} : memref<128x64xf32, #tpu.memory_space<vmem>>, vector<1x16xf32>,
        %swap3A_613 = vector.shape_cast %swap3A_612 : vector<1x16xf32> to vector<16xf32>
        %swap3A_614 = vector.shape_cast %broadcast_in_dim3A_5 : vector<16xf32> to vector<1x16xf32>
        tpu.vector_store %arg10[%swap3A_610, %swap3A_611], %swap3A_614 {strides = array<i32>} : memref<128x64xf32, #tpu.memory_space<vmem>>, vector<1x16xf32>,
      }
      %while3A_358 = arith.constant 1 : i32
      scf.for %while3A_595 = %while3A_356 to %while3A_352 step %while3A_358  : i32 {
        %swap3A = arith.index_cast %while3A_595 : i32 to index
        %swap3A_596 = arith.constant 0 : index
        %swap3A_597 = tpu.vector_load %arg10[%swap3A, %swap3A_596] {strides = array<i32>} : memref<128x64xf32, #tpu.memory_space<vmem>>, vector<1x16xf32>,
        %swap3A_598 = vector.shape_cast %swap3A_597 : vector<1x16xf32> to vector<16xf32>
        %swap3A_599 = vector.shape_cast %broadcast_in_dim3A_5 : vector<16xf32> to vector<1x16xf32>
        tpu.vector_store %arg10[%swap3A, %swap3A_596], %swap3A_599 {strides = array<i32>} : memref<128x64xf32, #tpu.memory_space<vmem>>, vector<1x16xf32>,
        %swap3A_600 = arith.index_cast %while3A_595 : i32 to index
        %swap3A_601 = arith.constant 16 : index
        %swap3A_602 = tpu.vector_load %arg10[%swap3A_600, %swap3A_601] {strides = array<i32>} : memref<128x64xf32, #tpu.memory_space<vmem>>, vector<1x16xf32>,
        %swap3A_603 = vector.shape_cast %swap3A_602 : vector<1x16xf32> to vector<16xf32>
        %swap3A_604 = vector.shape_cast %broadcast_in_dim3A_5 : vector<16xf32> to vector<1x16xf32>
        tpu.vector_store %arg10[%swap3A_600, %swap3A_601], %swap3A_604 {strides = array<i32>} : memref<128x64xf32, #tpu.memory_space<vmem>>, vector<1x16xf32>,
        %swap3A_605 = arith.index_cast %while3A_595 : i32 to index
        %swap3A_606 = arith.constant 32 : index
        %swap3A_607 = tpu.vector_load %arg10[%swap3A_605, %swap3A_606] {strides = array<i32>} : memref<128x64xf32, #tpu.memory_space<vmem>>, vector<1x16xf32>,
        %swap3A_608 = vector.shape_cast %swap3A_607 : vector<1x16xf32> to vector<16xf32>
        %swap3A_609 = vector.shape_cast %broadcast_in_dim3A_5 : vector<16xf32> to vector<1x16xf32>
        tpu.vector_store %arg10[%swap3A_605, %swap3A_606], %swap3A_609 {strides = array<i32>} : memref<128x64xf32, #tpu.memory_space<vmem>>, vector<1x16xf32>,
        %swap3A_610 = arith.index_cast %while3A_595 : i32 to index
        %swap3A_611 = arith.constant 48 : index
        %swap3A_612 = tpu.vector_load %arg10[%swap3A_610, %swap3A_611] {strides = array<i32>} : memref<128x64xf32, #tpu.memory_space<vmem>>, vector<1x16xf32>,
        %swap3A_613 = vector.shape_cast %swap3A_612 : vector<1x16xf32> to vector<16xf32>
        %swap3A_614 = vector.shape_cast %broadcast_in_dim3A_5 : vector<16xf32> to vector<1x16xf32>
        tpu.vector_store %arg10[%swap3A_610, %swap3A_611], %swap3A_614 {strides = array<i32>} : memref<128x64xf32, #tpu.memory_space<vmem>>, vector<1x16xf32>,
      }
      %add3A_359 = arith.constant 1 : i32
      %add3A_360 = arith.addi %select_n3A_330, %add3A_359 : i32
      %min3A_361 = arith.constant 31 : i32
      %min3A_362 = arith.minsi %add3A_360, %min3A_361 : i32
      %get3A_363 = arith.index_cast %min3A_362 : i32 to index
      %get3A_364 = tpu.vector_load %arg7[%get3A_363] {strides = array<i32>} : memref<48xi32, #tpu.memory_space<vmem>>, vector<16xi32>,
      %get3A_365 = vector.shape_cast %get3A_364 : vector<16xi32> to vector<16xi32>
      %slice3A_366 = vector.extract_strided_slice %get3A_365 {offsets = [0], sizes = [1], strides = [1]} : vector<16xi32> to vector<1xi32>
      %squeeze3A_367 = vector.extract %slice3A_366[0] : i32 from vector<1xi32>
      %add3A_368 = arith.addi %min3A_337, %squeeze3A_367 : i32
      %min3A_369 = arith.constant 128 : i32
      %min3A_370 = arith.minsi %add3A_368, %min3A_369 : i32
      %while3A_371 = arith.constant 0 : i32
      %while3A_372 = arith.constant 128 : i32
      %while3A_373 = arith.subi %while3A_372, %min3A_370 : i32
      %while3A_374 = arith.addi %min3A_370, %while3A_373 : i32
      %while3A_375 = arith.constant 1 : i32
      %while3A_376 = arith.divsi %while3A_373, %while3A_375 : i32
      %while3A_377 = arith.muli %while3A_376, %while3A_375 : i32
      %while3A_378 = arith.addi %min3A_370, %while3A_377 : i32
      %while3A_379 = arith.constant 1 : i32
      scf.for %while3A_595 = %min3A_370 to %while3A_378 step %while3A_379  : i32 {
        %swap3A = arith.index_cast %while3A_595 : i32 to index
        %swap3A_596 = arith.constant 0 : index
        %swap3A_597 = tpu.vector_load %arg10[%swap3A, %swap3A_596] {strides = array<i32>} : memref<128x64xf32, #tpu.memory_space<vmem>>, vector<1x16xf32>,
        %swap3A_598 = vector.shape_cast %swap3A_597 : vector<1x16xf32> to vector<16xf32>
        %swap3A_599 = vector.shape_cast %broadcast_in_dim3A_5 : vector<16xf32> to vector<1x16xf32>
        tpu.vector_store %arg10[%swap3A, %swap3A_596], %swap3A_599 {strides = array<i32>} : memref<128x64xf32, #tpu.memory_space<vmem>>, vector<1x16xf32>,
        %swap3A_600 = arith.index_cast %while3A_595 : i32 to index
        %swap3A_601 = arith.constant 16 : index
        %swap3A_602 = tpu.vector_load %arg10[%swap3A_600, %swap3A_601] {strides = array<i32>} : memref<128x64xf32, #tpu.memory_space<vmem>>, vector<1x16xf32>,
        %swap3A_603 = vector.shape_cast %swap3A_602 : vector<1x16xf32> to vector<16xf32>
        %swap3A_604 = vector.shape_cast %broadcast_in_dim3A_5 : vector<16xf32> to vector<1x16xf32>
        tpu.vector_store %arg10[%swap3A_600, %swap3A_601], %swap3A_604 {strides = array<i32>} : memref<128x64xf32, #tpu.memory_space<vmem>>, vector<1x16xf32>,
        %swap3A_605 = arith.index_cast %while3A_595 : i32 to index
        %swap3A_606 = arith.constant 32 : index
        %swap3A_607 = tpu.vector_load %arg10[%swap3A_605, %swap3A_606] {strides = array<i32>} : memref<128x64xf32, #tpu.memory_space<vmem>>, vector<1x16xf32>,
        %swap3A_608 = vector.shape_cast %swap3A_607 : vector<1x16xf32> to vector<16xf32>
        %swap3A_609 = vector.shape_cast %broadcast_in_dim3A_5 : vector<16xf32> to vector<1x16xf32>
        tpu.vector_store %arg10[%swap3A_605, %swap3A_606], %swap3A_609 {strides = array<i32>} : memref<128x64xf32, #tpu.memory_space<vmem>>, vector<1x16xf32>,
        %swap3A_610 = arith.index_cast %while3A_595 : i32 to index
        %swap3A_611 = arith.constant 48 : index
        %swap3A_612 = tpu.vector_load %arg10[%swap3A_610, %swap3A_611] {strides = array<i32>} : memref<128x64xf32, #tpu.memory_space<vmem>>, vector<1x16xf32>,
        %swap3A_613 = vector.shape_cast %swap3A_612 : vector<1x16xf32> to vector<16xf32>
        %swap3A_614 = vector.shape_cast %broadcast_in_dim3A_5 : vector<16xf32> to vector<1x16xf32>
        tpu.vector_store %arg10[%swap3A_610, %swap3A_611], %swap3A_614 {strides = array<i32>} : memref<128x64xf32, #tpu.memory_space<vmem>>, vector<1x16xf32>,
      }
      %while3A_380 = arith.constant 1 : i32
      scf.for %while3A_595 = %while3A_378 to %while3A_374 step %while3A_380  : i32 {
        %swap3A = arith.index_cast %while3A_595 : i32 to index
        %swap3A_596 = arith.constant 0 : index
        %swap3A_597 = tpu.vector_load %arg10[%swap3A, %swap3A_596] {strides = array<i32>} : memref<128x64xf32, #tpu.memory_space<vmem>>, vector<1x16xf32>,
        %swap3A_598 = vector.shape_cast %swap3A_597 : vector<1x16xf32> to vector<16xf32>
        %swap3A_599 = vector.shape_cast %broadcast_in_dim3A_5 : vector<16xf32> to vector<1x16xf32>
        tpu.vector_store %arg10[%swap3A, %swap3A_596], %swap3A_599 {strides = array<i32>} : memref<128x64xf32, #tpu.memory_space<vmem>>, vector<1x16xf32>,
        %swap3A_600 = arith.index_cast %while3A_595 : i32 to index
        %swap3A_601 = arith.constant 16 : index
        %swap3A_602 = tpu.vector_load %arg10[%swap3A_600, %swap3A_601] {strides = array<i32>} : memref<128x64xf32, #tpu.memory_space<vmem>>, vector<1x16xf32>,
        %swap3A_603 = vector.shape_cast %swap3A_602 : vector<1x16xf32> to vector<16xf32>
        %swap3A_604 = vector.shape_cast %broadcast_in_dim3A_5 : vector<16xf32> to vector<1x16xf32>
        tpu.vector_store %arg10[%swap3A_600, %swap3A_601], %swap3A_604 {strides = array<i32>} : memref<128x64xf32, #tpu.memory_space<vmem>>, vector<1x16xf32>,
        %swap3A_605 = arith.index_cast %while3A_595 : i32 to index
        %swap3A_606 = arith.constant 32 : index
        %swap3A_607 = tpu.vector_load %arg10[%swap3A_605, %swap3A_606] {strides = array<i32>} : memref<128x64xf32, #tpu.memory_space<vmem>>, vector<1x16xf32>,
        %swap3A_608 = vector.shape_cast %swap3A_607 : vector<1x16xf32> to vector<16xf32>
        %swap3A_609 = vector.shape_cast %broadcast_in_dim3A_5 : vector<16xf32> to vector<1x16xf32>
        tpu.vector_store %arg10[%swap3A_605, %swap3A_606], %swap3A_609 {strides = array<i32>} : memref<128x64xf32, #tpu.memory_space<vmem>>, vector<1x16xf32>,
        %swap3A_610 = arith.index_cast %while3A_595 : i32 to index
        %swap3A_611 = arith.constant 48 : index
        %swap3A_612 = tpu.vector_load %arg10[%swap3A_610, %swap3A_611] {strides = array<i32>} : memref<128x64xf32, #tpu.memory_space<vmem>>, vector<1x16xf32>,
        %swap3A_613 = vector.shape_cast %swap3A_612 : vector<1x16xf32> to vector<16xf32>
        %swap3A_614 = vector.shape_cast %broadcast_in_dim3A_5 : vector<16xf32> to vector<1x16xf32>
        tpu.vector_store %arg10[%swap3A_610, %swap3A_611], %swap3A_614 {strides = array<i32>} : memref<128x64xf32, #tpu.memory_space<vmem>>, vector<1x16xf32>,
      }
      %add3A_381 = arith.constant 2 : i32
      %add3A_382 = arith.addi %mul3A_106, %add3A_381 : i32
      %mul3A_383 = arith.constant 128 : i32
      %mul3A_384 = arith.muli %add3A_382, %mul3A_383 : i32
      %add3A_385 = arith.addi %mul3A_2, %mul3A_384 : i32
      %dma_start3A_386 = arith.constant 2 : i32
      %dma_start3A_387 = arith.constant 0 : i32
      %dma_start3A_388 = tpu.memref_slice %arg5[%add3A_385, %dma_start3A_387] : memref<204800x128xf32, #tpu.memory_space<hbm>> -> memref<128x64xf32, #tpu.memory_space<hbm>>
      %dma_start3A_389 = tpu.memref_slice %arg14[%dma_start3A_386] : memref<5x!tpu.dma_semaphore, #tpu.memory_space<semaphore_mem>> -> memref<1x!tpu.dma_semaphore, #tpu.memory_space<semaphore_mem>>
      %dma_start3A_390 = tpu.memref_squeeze %dma_start3A_389 : memref<1x!tpu.dma_semaphore, #tpu.memory_space<semaphore_mem>> -> memref<!tpu.dma_semaphore, #tpu.memory_space<semaphore_mem>>
      %dma_start3A_391 = arith.constant 0 : i32
      %dma_start3A_392 = tpu.memref_slice %arg5[%add3A_385, %dma_start3A_391] : memref<204800x128xf32, #tpu.memory_space<hbm>> -> memref<128x64xf32, #tpu.memory_space<hbm>>
      tpu.enqueue_dma source(%arg10 : memref<128x64xf32, #tpu.memory_space<vmem>>) target(%dma_start3A_392 : memref<128x64xf32, #tpu.memory_space<hbm>>) target_semaphore(%dma_start3A_390 : memref<!tpu.dma_semaphore, #tpu.memory_space<semaphore_mem>>)
      %dma_wait3A_393 = arith.constant 0 : i32
      %dma_wait3A_394 = arith.constant 3 : i32
      %dma_wait3A_395 = arith.constant 0 : i32
      %dma_wait3A_396 = tpu.memref_slice %arg6[%dma_wait3A_393, %dma_wait3A_395] : memref<50x128xi32, #tpu.memory_space<vmem>> -> memref<1x128xi32, #tpu.memory_space<vmem>>
      %dma_wait3A_397 = tpu.memref_squeeze %dma_wait3A_396 : memref<1x128xi32, #tpu.memory_space<vmem>> -> memref<128xi32, #tpu.memory_space<vmem>>
      %dma_wait3A_398 = arith.constant 0 : i32
      %dma_wait3A_399 = arith.constant 0 : i32
      %dma_wait3A_400 = tpu.memref_slice %arg4[%dma_wait3A_398, %dma_wait3A_399] : memref<1000000x64xf32, #tpu.memory_space<hbm>> -> memref<1000000x64xf32, #tpu.memory_space<hbm>>
      %dma_wait3A_401 = tpu.memref_slice %arg13[%dma_wait3A_394] : memref<5x!tpu.dma_semaphore, #tpu.memory_space<semaphore_mem>> -> memref<1x!tpu.dma_semaphore, #tpu.memory_space<semaphore_mem>>
      %dma_wait3A_402 = tpu.memref_squeeze %dma_wait3A_401 : memref<1x!tpu.dma_semaphore, #tpu.memory_space<semaphore_mem>> -> memref<!tpu.dma_semaphore, #tpu.memory_space<semaphore_mem>>
      tpu.wait_indirect_dma semaphore(%dma_wait3A_402 : memref<!tpu.dma_semaphore, #tpu.memory_space<semaphore_mem>>) src(%dma_wait3A_400 : memref<1000000x64xf32, #tpu.memory_space<hbm>>) dst(%arg11 : memref<128x64xf32, #tpu.memory_space<vmem>>)
      %add3A_403 = arith.constant 3 : i32
      %add3A_404 = arith.addi %mul3A_106, %add3A_403 : i32
      %mul3A_405 = arith.constant 128 : i32
      %mul3A_406 = arith.muli %add3A_404, %mul3A_405 : i32
      %jit3A_407 = arith.constant 200 : i32
      %div3A_408 = arith.divsi %mul3A_406, %jit3A_407 : i32
      %sign3A_409 = arith.constant 0 : i32
      %sign3A_410 = arith.cmpi sgt, %mul3A_406, %sign3A_409 : i32
      %sign3A_411 = arith.extui %sign3A_410 : i1 to i32
      %sign3A_412 = arith.constant 0 : i32
      %sign3A_413 = arith.cmpi slt, %mul3A_406, %sign3A_412 : i32
      %sign3A_414 = arith.extui %sign3A_413 : i1 to i32
      %sign3A_415 = arith.subi %sign3A_411, %sign3A_414 : i32
      %sign3A_416 = arith.constant 0 : i32
      %sign3A_417 = arith.cmpi sgt, %jit3A_407, %sign3A_416 : i32
      %sign3A_418 = arith.extui %sign3A_417 : i1 to i32
      %sign3A_419 = arith.constant 0 : i32
      %sign3A_420 = arith.cmpi slt, %jit3A_407, %sign3A_419 : i32
      %sign3A_421 = arith.extui %sign3A_420 : i1 to i32
      %sign3A_422 = arith.subi %sign3A_418, %sign3A_421 : i32
      %ne3A_423 = arith.cmpi ne, %sign3A_415, %sign3A_422 : i32
      %rem3A_424 = arith.remsi %mul3A_406, %jit3A_407 : i32
      %ne3A_425 = arith.constant 0 : i32
      %ne3A_426 = arith.cmpi ne, %rem3A_424, %ne3A_425 : i32
      %and3A_427 = arith.andi %ne3A_423, %ne3A_426 : i1
      %sub3A_428 = arith.constant 1 : i32
      %sub3A_429 = arith.subi %div3A_408, %sub3A_428 : i32
      %select_n3A_430 = arith.select %and3A_427, %sub3A_429, %div3A_408 : i32
      %add3A_431 = arith.constant 1 : i32
      %add3A_432 = arith.addi %select_n3A_430, %add3A_431 : i32
      %mul3A_433 = arith.constant 200 : i32
      %mul3A_434 = arith.muli %add3A_432, %mul3A_433 : i32
      %sub3A_435 = arith.subi %mul3A_434, %mul3A_406 : i32
      %min3A_436 = arith.constant 128 : i32
      %min3A_437 = arith.minsi %min3A_436, %sub3A_435 : i32
      %mul3A_438 = arith.constant 200 : i32
      %mul3A_439 = arith.muli %select_n3A_430, %mul3A_438 : i32
      %get3A_440 = arith.index_cast %select_n3A_430 : i32 to index
      %get3A_441 = tpu.vector_load %arg7[%get3A_440] {strides = array<i32>} : memref<48xi32, #tpu.memory_space<vmem>>, vector<16xi32>,
      %get3A_442 = vector.shape_cast %get3A_441 : vector<16xi32> to vector<16xi32>
      %slice3A_443 = vector.extract_strided_slice %get3A_442 {offsets = [0], sizes = [1], strides = [1]} : vector<16xi32> to vector<1xi32>
      %squeeze3A_444 = vector.extract %slice3A_443[0] : i32 from vector<1xi32>
      %add3A_445 = arith.addi %mul3A_439, %squeeze3A_444 : i32
      %sub3A_446 = arith.subi %add3A_445, %mul3A_406 : i32
      %jit3A_447 = arith.constant 0 : i32
      %max3A_448 = arith.maxsi %jit3A_447, %sub3A_446 : i32
      %min3A_449 = arith.minsi %min3A_437, %max3A_448 : i32
      %while3A_450 = arith.constant 0 : i32
      %while3A_451 = arith.subi %min3A_437, %min3A_449 : i32
      %while3A_452 = arith.addi %min3A_449, %while3A_451 : i32
      %while3A_453 = arith.constant 1 : i32
      %while3A_454 = arith.divsi %while3A_451, %while3A_453 : i32
      %while3A_455 = arith.muli %while3A_454, %while3A_453 : i32
      %while3A_456 = arith.addi %min3A_449, %while3A_455 : i32
      %while3A_457 = arith.constant 1 : i32
      scf.for %while3A_595 = %min3A_449 to %while3A_456 step %while3A_457  : i32 {
        %swap3A = arith.index_cast %while3A_595 : i32 to index
        %swap3A_596 = arith.constant 0 : index
        %swap3A_597 = tpu.vector_load %arg11[%swap3A, %swap3A_596] {strides = array<i32>} : memref<128x64xf32, #tpu.memory_space<vmem>>, vector<1x16xf32>,
        %swap3A_598 = vector.shape_cast %swap3A_597 : vector<1x16xf32> to vector<16xf32>
        %swap3A_599 = vector.shape_cast %broadcast_in_dim3A_5 : vector<16xf32> to vector<1x16xf32>
        tpu.vector_store %arg11[%swap3A, %swap3A_596], %swap3A_599 {strides = array<i32>} : memref<128x64xf32, #tpu.memory_space<vmem>>, vector<1x16xf32>,
        %swap3A_600 = arith.index_cast %while3A_595 : i32 to index
        %swap3A_601 = arith.constant 16 : index
        %swap3A_602 = tpu.vector_load %arg11[%swap3A_600, %swap3A_601] {strides = array<i32>} : memref<128x64xf32, #tpu.memory_space<vmem>>, vector<1x16xf32>,
        %swap3A_603 = vector.shape_cast %swap3A_602 : vector<1x16xf32> to vector<16xf32>
        %swap3A_604 = vector.shape_cast %broadcast_in_dim3A_5 : vector<16xf32> to vector<1x16xf32>
        tpu.vector_store %arg11[%swap3A_600, %swap3A_601], %swap3A_604 {strides = array<i32>} : memref<128x64xf32, #tpu.memory_space<vmem>>, vector<1x16xf32>,
        %swap3A_605 = arith.index_cast %while3A_595 : i32 to index
        %swap3A_606 = arith.constant 32 : index
        %swap3A_607 = tpu.vector_load %arg11[%swap3A_605, %swap3A_606] {strides = array<i32>} : memref<128x64xf32, #tpu.memory_space<vmem>>, vector<1x16xf32>,
        %swap3A_608 = vector.shape_cast %swap3A_607 : vector<1x16xf32> to vector<16xf32>
        %swap3A_609 = vector.shape_cast %broadcast_in_dim3A_5 : vector<16xf32> to vector<1x16xf32>
        tpu.vector_store %arg11[%swap3A_605, %swap3A_606], %swap3A_609 {strides = array<i32>} : memref<128x64xf32, #tpu.memory_space<vmem>>, vector<1x16xf32>,
        %swap3A_610 = arith.index_cast %while3A_595 : i32 to index
        %swap3A_611 = arith.constant 48 : index
        %swap3A_612 = tpu.vector_load %arg11[%swap3A_610, %swap3A_611] {strides = array<i32>} : memref<128x64xf32, #tpu.memory_space<vmem>>, vector<1x16xf32>,
        %swap3A_613 = vector.shape_cast %swap3A_612 : vector<1x16xf32> to vector<16xf32>
        %swap3A_614 = vector.shape_cast %broadcast_in_dim3A_5 : vector<16xf32> to vector<1x16xf32>
        tpu.vector_store %arg11[%swap3A_610, %swap3A_611], %swap3A_614 {strides = array<i32>} : memref<128x64xf32, #tpu.memory_space<vmem>>, vector<1x16xf32>,
      }
      %while3A_458 = arith.constant 1 : i32
      scf.for %while3A_595 = %while3A_456 to %while3A_452 step %while3A_458  : i32 {
        %swap3A = arith.index_cast %while3A_595 : i32 to index
        %swap3A_596 = arith.constant 0 : index
        %swap3A_597 = tpu.vector_load %arg11[%swap3A, %swap3A_596] {strides = array<i32>} : memref<128x64xf32, #tpu.memory_space<vmem>>, vector<1x16xf32>,
        %swap3A_598 = vector.shape_cast %swap3A_597 : vector<1x16xf32> to vector<16xf32>
        %swap3A_599 = vector.shape_cast %broadcast_in_dim3A_5 : vector<16xf32> to vector<1x16xf32>
        tpu.vector_store %arg11[%swap3A, %swap3A_596], %swap3A_599 {strides = array<i32>} : memref<128x64xf32, #tpu.memory_space<vmem>>, vector<1x16xf32>,
        %swap3A_600 = arith.index_cast %while3A_595 : i32 to index
        %swap3A_601 = arith.constant 16 : index
        %swap3A_602 = tpu.vector_load %arg11[%swap3A_600, %swap3A_601] {strides = array<i32>} : memref<128x64xf32, #tpu.memory_space<vmem>>, vector<1x16xf32>,
        %swap3A_603 = vector.shape_cast %swap3A_602 : vector<1x16xf32> to vector<16xf32>
        %swap3A_604 = vector.shape_cast %broadcast_in_dim3A_5 : vector<16xf32> to vector<1x16xf32>
        tpu.vector_store %arg11[%swap3A_600, %swap3A_601], %swap3A_604 {strides = array<i32>} : memref<128x64xf32, #tpu.memory_space<vmem>>, vector<1x16xf32>,
        %swap3A_605 = arith.index_cast %while3A_595 : i32 to index
        %swap3A_606 = arith.constant 32 : index
        %swap3A_607 = tpu.vector_load %arg11[%swap3A_605, %swap3A_606] {strides = array<i32>} : memref<128x64xf32, #tpu.memory_space<vmem>>, vector<1x16xf32>,
        %swap3A_608 = vector.shape_cast %swap3A_607 : vector<1x16xf32> to vector<16xf32>
        %swap3A_609 = vector.shape_cast %broadcast_in_dim3A_5 : vector<16xf32> to vector<1x16xf32>
        tpu.vector_store %arg11[%swap3A_605, %swap3A_606], %swap3A_609 {strides = array<i32>} : memref<128x64xf32, #tpu.memory_space<vmem>>, vector<1x16xf32>,
        %swap3A_610 = arith.index_cast %while3A_595 : i32 to index
        %swap3A_611 = arith.constant 48 : index
        %swap3A_612 = tpu.vector_load %arg11[%swap3A_610, %swap3A_611] {strides = array<i32>} : memref<128x64xf32, #tpu.memory_space<vmem>>, vector<1x16xf32>,
        %swap3A_613 = vector.shape_cast %swap3A_612 : vector<1x16xf32> to vector<16xf32>
        %swap3A_614 = vector.shape_cast %broadcast_in_dim3A_5 : vector<16xf32> to vector<1x16xf32>
        tpu.vector_store %arg11[%swap3A_610, %swap3A_611], %swap3A_614 {strides = array<i32>} : memref<128x64xf32, #tpu.memory_space<vmem>>, vector<1x16xf32>,
      }
      %add3A_459 = arith.constant 1 : i32
      %add3A_460 = arith.addi %select_n3A_430, %add3A_459 : i32
      %min3A_461 = arith.constant 31 : i32
      %min3A_462 = arith.minsi %add3A_460, %min3A_461 : i32
      %get3A_463 = arith.index_cast %min3A_462 : i32 to index
      %get3A_464 = tpu.vector_load %arg7[%get3A_463] {strides = array<i32>} : memref<48xi32, #tpu.memory_space<vmem>>, vector<16xi32>,
      %get3A_465 = vector.shape_cast %get3A_464 : vector<16xi32> to vector<16xi32>
      %slice3A_466 = vector.extract_strided_slice %get3A_465 {offsets = [0], sizes = [1], strides = [1]} : vector<16xi32> to vector<1xi32>
      %squeeze3A_467 = vector.extract %slice3A_466[0] : i32 from vector<1xi32>
      %add3A_468 = arith.addi %min3A_437, %squeeze3A_467 : i32
      %min3A_469 = arith.constant 128 : i32
      %min3A_470 = arith.minsi %add3A_468, %min3A_469 : i32
      %while3A_471 = arith.constant 0 : i32
      %while3A_472 = arith.constant 128 : i32
      %while3A_473 = arith.subi %while3A_472, %min3A_470 : i32
      %while3A_474 = arith.addi %min3A_470, %while3A_473 : i32
      %while3A_475 = arith.constant 1 : i32
      %while3A_476 = arith.divsi %while3A_473, %while3A_475 : i32
      %while3A_477 = arith.muli %while3A_476, %while3A_475 : i32
      %while3A_478 = arith.addi %min3A_470, %while3A_477 : i32
      %while3A_479 = arith.constant 1 : i32
      scf.for %while3A_595 = %min3A_470 to %while3A_478 step %while3A_479  : i32 {
        %swap3A = arith.index_cast %while3A_595 : i32 to index
        %swap3A_596 = arith.constant 0 : index
        %swap3A_597 = tpu.vector_load %arg11[%swap3A, %swap3A_596] {strides = array<i32>} : memref<128x64xf32, #tpu.memory_space<vmem>>, vector<1x16xf32>,
        %swap3A_598 = vector.shape_cast %swap3A_597 : vector<1x16xf32> to vector<16xf32>
        %swap3A_599 = vector.shape_cast %broadcast_in_dim3A_5 : vector<16xf32> to vector<1x16xf32>
        tpu.vector_store %arg11[%swap3A, %swap3A_596], %swap3A_599 {strides = array<i32>} : memref<128x64xf32, #tpu.memory_space<vmem>>, vector<1x16xf32>,
        %swap3A_600 = arith.index_cast %while3A_595 : i32 to index
        %swap3A_601 = arith.constant 16 : index
        %swap3A_602 = tpu.vector_load %arg11[%swap3A_600, %swap3A_601] {strides = array<i32>} : memref<128x64xf32, #tpu.memory_space<vmem>>, vector<1x16xf32>,
        %swap3A_603 = vector.shape_cast %swap3A_602 : vector<1x16xf32> to vector<16xf32>
        %swap3A_604 = vector.shape_cast %broadcast_in_dim3A_5 : vector<16xf32> to vector<1x16xf32>
        tpu.vector_store %arg11[%swap3A_600, %swap3A_601], %swap3A_604 {strides = array<i32>} : memref<128x64xf32, #tpu.memory_space<vmem>>, vector<1x16xf32>,
        %swap3A_605 = arith.index_cast %while3A_595 : i32 to index
        %swap3A_606 = arith.constant 32 : index
        %swap3A_607 = tpu.vector_load %arg11[%swap3A_605, %swap3A_606] {strides = array<i32>} : memref<128x64xf32, #tpu.memory_space<vmem>>, vector<1x16xf32>,
        %swap3A_608 = vector.shape_cast %swap3A_607 : vector<1x16xf32> to vector<16xf32>
        %swap3A_609 = vector.shape_cast %broadcast_in_dim3A_5 : vector<16xf32> to vector<1x16xf32>
        tpu.vector_store %arg11[%swap3A_605, %swap3A_606], %swap3A_609 {strides = array<i32>} : memref<128x64xf32, #tpu.memory_space<vmem>>, vector<1x16xf32>,
        %swap3A_610 = arith.index_cast %while3A_595 : i32 to index
        %swap3A_611 = arith.constant 48 : index
        %swap3A_612 = tpu.vector_load %arg11[%swap3A_610, %swap3A_611] {strides = array<i32>} : memref<128x64xf32, #tpu.memory_space<vmem>>, vector<1x16xf32>,
        %swap3A_613 = vector.shape_cast %swap3A_612 : vector<1x16xf32> to vector<16xf32>
        %swap3A_614 = vector.shape_cast %broadcast_in_dim3A_5 : vector<16xf32> to vector<1x16xf32>
        tpu.vector_store %arg11[%swap3A_610, %swap3A_611], %swap3A_614 {strides = array<i32>} : memref<128x64xf32, #tpu.memory_space<vmem>>, vector<1x16xf32>,
      }
      %while3A_480 = arith.constant 1 : i32
      scf.for %while3A_595 = %while3A_478 to %while3A_474 step %while3A_480  : i32 {
        %swap3A = arith.index_cast %while3A_595 : i32 to index
        %swap3A_596 = arith.constant 0 : index
        %swap3A_597 = tpu.vector_load %arg11[%swap3A, %swap3A_596] {strides = array<i32>} : memref<128x64xf32, #tpu.memory_space<vmem>>, vector<1x16xf32>,
        %swap3A_598 = vector.shape_cast %swap3A_597 : vector<1x16xf32> to vector<16xf32>
        %swap3A_599 = vector.shape_cast %broadcast_in_dim3A_5 : vector<16xf32> to vector<1x16xf32>
        tpu.vector_store %arg11[%swap3A, %swap3A_596], %swap3A_599 {strides = array<i32>} : memref<128x64xf32, #tpu.memory_space<vmem>>, vector<1x16xf32>,
        %swap3A_600 = arith.index_cast %while3A_595 : i32 to index
        %swap3A_601 = arith.constant 16 : index
        %swap3A_602 = tpu.vector_load %arg11[%swap3A_600, %swap3A_601] {strides = array<i32>} : memref<128x64xf32, #tpu.memory_space<vmem>>, vector<1x16xf32>,
        %swap3A_603 = vector.shape_cast %swap3A_602 : vector<1x16xf32> to vector<16xf32>
        %swap3A_604 = vector.shape_cast %broadcast_in_dim3A_5 : vector<16xf32> to vector<1x16xf32>
        tpu.vector_store %arg11[%swap3A_600, %swap3A_601], %swap3A_604 {strides = array<i32>} : memref<128x64xf32, #tpu.memory_space<vmem>>, vector<1x16xf32>,
        %swap3A_605 = arith.index_cast %while3A_595 : i32 to index
        %swap3A_606 = arith.constant 32 : index
        %swap3A_607 = tpu.vector_load %arg11[%swap3A_605, %swap3A_606] {strides = array<i32>} : memref<128x64xf32, #tpu.memory_space<vmem>>, vector<1x16xf32>,
        %swap3A_608 = vector.shape_cast %swap3A_607 : vector<1x16xf32> to vector<16xf32>
        %swap3A_609 = vector.shape_cast %broadcast_in_dim3A_5 : vector<16xf32> to vector<1x16xf32>
        tpu.vector_store %arg11[%swap3A_605, %swap3A_606], %swap3A_609 {strides = array<i32>} : memref<128x64xf32, #tpu.memory_space<vmem>>, vector<1x16xf32>,
        %swap3A_610 = arith.index_cast %while3A_595 : i32 to index
        %swap3A_611 = arith.constant 48 : index
        %swap3A_612 = tpu.vector_load %arg11[%swap3A_610, %swap3A_611] {strides = array<i32>} : memref<128x64xf32, #tpu.memory_space<vmem>>, vector<1x16xf32>,
        %swap3A_613 = vector.shape_cast %swap3A_612 : vector<1x16xf32> to vector<16xf32>
        %swap3A_614 = vector.shape_cast %broadcast_in_dim3A_5 : vector<16xf32> to vector<1x16xf32>
        tpu.vector_store %arg11[%swap3A_610, %swap3A_611], %swap3A_614 {strides = array<i32>} : memref<128x64xf32, #tpu.memory_space<vmem>>, vector<1x16xf32>,
      }
      %add3A_481 = arith.constant 3 : i32
      %add3A_482 = arith.addi %mul3A_106, %add3A_481 : i32
      %mul3A_483 = arith.constant 128 : i32
      %mul3A_484 = arith.muli %add3A_482, %mul3A_483 : i32
      %add3A_485 = arith.addi %mul3A_2, %mul3A_484 : i32
      %dma_start3A_486 = arith.constant 3 : i32
      %dma_start3A_487 = arith.constant 0 : i32
      %dma_start3A_488 = tpu.memref_slice %arg5[%add3A_485, %dma_start3A_487] : memref<204800x128xf32, #tpu.memory_space<hbm>> -> memref<128x64xf32, #tpu.memory_space<hbm>>
      %dma_start3A_489 = tpu.memref_slice %arg14[%dma_start3A_486] : memref<5x!tpu.dma_semaphore, #tpu.memory_space<semaphore_mem>> -> memref<1x!tpu.dma_semaphore, #tpu.memory_space<semaphore_mem>>
      %dma_start3A_490 = tpu.memref_squeeze %dma_start3A_489 : memref<1x!tpu.dma_semaphore, #tpu.memory_space<semaphore_mem>> -> memref<!tpu.dma_semaphore, #tpu.memory_space<semaphore_mem>>
      %dma_start3A_491 = arith.constant 0 : i32
      %dma_start3A_492 = tpu.memref_slice %arg5[%add3A_485, %dma_start3A_491] : memref<204800x128xf32, #tpu.memory_space<hbm>> -> memref<128x64xf32, #tpu.memory_space<hbm>>
      tpu.enqueue_dma source(%arg11 : memref<128x64xf32, #tpu.memory_space<vmem>>) target(%dma_start3A_492 : memref<128x64xf32, #tpu.memory_space<hbm>>) target_semaphore(%dma_start3A_490 : memref<!tpu.dma_semaphore, #tpu.memory_space<semaphore_mem>>)
      %dma_wait3A_493 = arith.constant 0 : i32
      %dma_wait3A_494 = arith.constant 4 : i32
      %dma_wait3A_495 = arith.constant 0 : i32
      %dma_wait3A_496 = tpu.memref_slice %arg6[%dma_wait3A_493, %dma_wait3A_495] : memref<50x128xi32, #tpu.memory_space<vmem>> -> memref<1x128xi32, #tpu.memory_space<vmem>>
      %dma_wait3A_497 = tpu.memref_squeeze %dma_wait3A_496 : memref<1x128xi32, #tpu.memory_space<vmem>> -> memref<128xi32, #tpu.memory_space<vmem>>
      %dma_wait3A_498 = arith.constant 0 : i32
      %dma_wait3A_499 = arith.constant 0 : i32
      %dma_wait3A_500 = tpu.memref_slice %arg4[%dma_wait3A_498, %dma_wait3A_499] : memref<1000000x64xf32, #tpu.memory_space<hbm>> -> memref<1000000x64xf32, #tpu.memory_space<hbm>>
      %dma_wait3A_501 = tpu.memref_slice %arg13[%dma_wait3A_494] : memref<5x!tpu.dma_semaphore, #tpu.memory_space<semaphore_mem>> -> memref<1x!tpu.dma_semaphore, #tpu.memory_space<semaphore_mem>>
      %dma_wait3A_502 = tpu.memref_squeeze %dma_wait3A_501 : memref<1x!tpu.dma_semaphore, #tpu.memory_space<semaphore_mem>> -> memref<!tpu.dma_semaphore, #tpu.memory_space<semaphore_mem>>
      tpu.wait_indirect_dma semaphore(%dma_wait3A_502 : memref<!tpu.dma_semaphore, #tpu.memory_space<semaphore_mem>>) src(%dma_wait3A_500 : memref<1000000x64xf32, #tpu.memory_space<hbm>>) dst(%arg12 : memref<128x64xf32, #tpu.memory_space<vmem>>)
      %add3A_503 = arith.constant 4 : i32
      %add3A_504 = arith.addi %mul3A_106, %add3A_503 : i32
      %mul3A_505 = arith.constant 128 : i32
      %mul3A_506 = arith.muli %add3A_504, %mul3A_505 : i32
      %jit3A_507 = arith.constant 200 : i32
      %div3A_508 = arith.divsi %mul3A_506, %jit3A_507 : i32
      %sign3A_509 = arith.constant 0 : i32
      %sign3A_510 = arith.cmpi sgt, %mul3A_506, %sign3A_509 : i32
      %sign3A_511 = arith.extui %sign3A_510 : i1 to i32
      %sign3A_512 = arith.constant 0 : i32
      %sign3A_513 = arith.cmpi slt, %mul3A_506, %sign3A_512 : i32
      %sign3A_514 = arith.extui %sign3A_513 : i1 to i32
      %sign3A_515 = arith.subi %sign3A_511, %sign3A_514 : i32
      %sign3A_516 = arith.constant 0 : i32
      %sign3A_517 = arith.cmpi sgt, %jit3A_507, %sign3A_516 : i32
      %sign3A_518 = arith.extui %sign3A_517 : i1 to i32
      %sign3A_519 = arith.constant 0 : i32
      %sign3A_520 = arith.cmpi slt, %jit3A_507, %sign3A_519 : i32
      %sign3A_521 = arith.extui %sign3A_520 : i1 to i32
      %sign3A_522 = arith.subi %sign3A_518, %sign3A_521 : i32
      %ne3A_523 = arith.cmpi ne, %sign3A_515, %sign3A_522 : i32
      %rem3A_524 = arith.remsi %mul3A_506, %jit3A_507 : i32
      %ne3A_525 = arith.constant 0 : i32
      %ne3A_526 = arith.cmpi ne, %rem3A_524, %ne3A_525 : i32
      %and3A_527 = arith.andi %ne3A_523, %ne3A_526 : i1
      %sub3A_528 = arith.constant 1 : i32
      %sub3A_529 = arith.subi %div3A_508, %sub3A_528 : i32
      %select_n3A_530 = arith.select %and3A_527, %sub3A_529, %div3A_508 : i32
      %add3A_531 = arith.constant 1 : i32
      %add3A_532 = arith.addi %select_n3A_530, %add3A_531 : i32
      %mul3A_533 = arith.constant 200 : i32
      %mul3A_534 = arith.muli %add3A_532, %mul3A_533 : i32
      %sub3A_535 = arith.subi %mul3A_534, %mul3A_506 : i32
      %min3A_536 = arith.constant 128 : i32
      %min3A_537 = arith.minsi %min3A_536, %sub3A_535 : i32
      %mul3A_538 = arith.constant 200 : i32
      %mul3A_539 = arith.muli %select_n3A_530, %mul3A_538 : i32
      %get3A_540 = arith.index_cast %select_n3A_530 : i32 to index
      %get3A_541 = tpu.vector_load %arg7[%get3A_540] {strides = array<i32>} : memref<48xi32, #tpu.memory_space<vmem>>, vector<16xi32>,
      %get3A_542 = vector.shape_cast %get3A_541 : vector<16xi32> to vector<16xi32>
      %slice3A_543 = vector.extract_strided_slice %get3A_542 {offsets = [0], sizes = [1], strides = [1]} : vector<16xi32> to vector<1xi32>
      %squeeze3A_544 = vector.extract %slice3A_543[0] : i32 from vector<1xi32>
      %add3A_545 = arith.addi %mul3A_539, %squeeze3A_544 : i32
      %sub3A_546 = arith.subi %add3A_545, %mul3A_506 : i32
      %jit3A_547 = arith.constant 0 : i32
      %max3A_548 = arith.maxsi %jit3A_547, %sub3A_546 : i32
      %min3A_549 = arith.minsi %min3A_537, %max3A_548 : i32
      %while3A_550 = arith.constant 0 : i32
      %while3A_551 = arith.subi %min3A_537, %min3A_549 : i32
      %while3A_552 = arith.addi %min3A_549, %while3A_551 : i32
      %while3A_553 = arith.constant 1 : i32
      %while3A_554 = arith.divsi %while3A_551, %while3A_553 : i32
      %while3A_555 = arith.muli %while3A_554, %while3A_553 : i32
      %while3A_556 = arith.addi %min3A_549, %while3A_555 : i32
      %while3A_557 = arith.constant 1 : i32
      scf.for %while3A_595 = %min3A_549 to %while3A_556 step %while3A_557  : i32 {
        %swap3A = arith.index_cast %while3A_595 : i32 to index
        %swap3A_596 = arith.constant 0 : index
        %swap3A_597 = tpu.vector_load %arg12[%swap3A, %swap3A_596] {strides = array<i32>} : memref<128x64xf32, #tpu.memory_space<vmem>>, vector<1x16xf32>,
        %swap3A_598 = vector.shape_cast %swap3A_597 : vector<1x16xf32> to vector<16xf32>
        %swap3A_599 = vector.shape_cast %broadcast_in_dim3A_5 : vector<16xf32> to vector<1x16xf32>
        tpu.vector_store %arg12[%swap3A, %swap3A_596], %swap3A_599 {strides = array<i32>} : memref<128x64xf32, #tpu.memory_space<vmem>>, vector<1x16xf32>,
        %swap3A_600 = arith.index_cast %while3A_595 : i32 to index
        %swap3A_601 = arith.constant 16 : index
        %swap3A_602 = tpu.vector_load %arg12[%swap3A_600, %swap3A_601] {strides = array<i32>} : memref<128x64xf32, #tpu.memory_space<vmem>>, vector<1x16xf32>,
        %swap3A_603 = vector.shape_cast %swap3A_602 : vector<1x16xf32> to vector<16xf32>
        %swap3A_604 = vector.shape_cast %broadcast_in_dim3A_5 : vector<16xf32> to vector<1x16xf32>
        tpu.vector_store %arg12[%swap3A_600, %swap3A_601], %swap3A_604 {strides = array<i32>} : memref<128x64xf32, #tpu.memory_space<vmem>>, vector<1x16xf32>,
        %swap3A_605 = arith.index_cast %while3A_595 : i32 to index
        %swap3A_606 = arith.constant 32 : index
        %swap3A_607 = tpu.vector_load %arg12[%swap3A_605, %swap3A_606] {strides = array<i32>} : memref<128x64xf32, #tpu.memory_space<vmem>>, vector<1x16xf32>,
        %swap3A_608 = vector.shape_cast %swap3A_607 : vector<1x16xf32> to vector<16xf32>
        %swap3A_609 = vector.shape_cast %broadcast_in_dim3A_5 : vector<16xf32> to vector<1x16xf32>
        tpu.vector_store %arg12[%swap3A_605, %swap3A_606], %swap3A_609 {strides = array<i32>} : memref<128x64xf32, #tpu.memory_space<vmem>>, vector<1x16xf32>,
        %swap3A_610 = arith.index_cast %while3A_595 : i32 to index
        %swap3A_611 = arith.constant 48 : index
        %swap3A_612 = tpu.vector_load %arg12[%swap3A_610, %swap3A_611] {strides = array<i32>} : memref<128x64xf32, #tpu.memory_space<vmem>>, vector<1x16xf32>,
        %swap3A_613 = vector.shape_cast %swap3A_612 : vector<1x16xf32> to vector<16xf32>
        %swap3A_614 = vector.shape_cast %broadcast_in_dim3A_5 : vector<16xf32> to vector<1x16xf32>
        tpu.vector_store %arg12[%swap3A_610, %swap3A_611], %swap3A_614 {strides = array<i32>} : memref<128x64xf32, #tpu.memory_space<vmem>>, vector<1x16xf32>,
      }
      %while3A_558 = arith.constant 1 : i32
      scf.for %while3A_595 = %while3A_556 to %while3A_552 step %while3A_558  : i32 {
        %swap3A = arith.index_cast %while3A_595 : i32 to index
        %swap3A_596 = arith.constant 0 : index
        %swap3A_597 = tpu.vector_load %arg12[%swap3A, %swap3A_596] {strides = array<i32>} : memref<128x64xf32, #tpu.memory_space<vmem>>, vector<1x16xf32>,
        %swap3A_598 = vector.shape_cast %swap3A_597 : vector<1x16xf32> to vector<16xf32>
        %swap3A_599 = vector.shape_cast %broadcast_in_dim3A_5 : vector<16xf32> to vector<1x16xf32>
        tpu.vector_store %arg12[%swap3A, %swap3A_596], %swap3A_599 {strides = array<i32>} : memref<128x64xf32, #tpu.memory_space<vmem>>, vector<1x16xf32>,
        %swap3A_600 = arith.index_cast %while3A_595 : i32 to index
        %swap3A_601 = arith.constant 16 : index
        %swap3A_602 = tpu.vector_load %arg12[%swap3A_600, %swap3A_601] {strides = array<i32>} : memref<128x64xf32, #tpu.memory_space<vmem>>, vector<1x16xf32>,
        %swap3A_603 = vector.shape_cast %swap3A_602 : vector<1x16xf32> to vector<16xf32>
        %swap3A_604 = vector.shape_cast %broadcast_in_dim3A_5 : vector<16xf32> to vector<1x16xf32>
        tpu.vector_store %arg12[%swap3A_600, %swap3A_601], %swap3A_604 {strides = array<i32>} : memref<128x64xf32, #tpu.memory_space<vmem>>, vector<1x16xf32>,
        %swap3A_605 = arith.index_cast %while3A_595 : i32 to index
        %swap3A_606 = arith.constant 32 : index
        %swap3A_607 = tpu.vector_load %arg12[%swap3A_605, %swap3A_606] {strides = array<i32>} : memref<128x64xf32, #tpu.memory_space<vmem>>, vector<1x16xf32>,
        %swap3A_608 = vector.shape_cast %swap3A_607 : vector<1x16xf32> to vector<16xf32>
        %swap3A_609 = vector.shape_cast %broadcast_in_dim3A_5 : vector<16xf32> to vector<1x16xf32>
        tpu.vector_store %arg12[%swap3A_605, %swap3A_606], %swap3A_609 {strides = array<i32>} : memref<128x64xf32, #tpu.memory_space<vmem>>, vector<1x16xf32>,
        %swap3A_610 = arith.index_cast %while3A_595 : i32 to index
        %swap3A_611 = arith.constant 48 : index
        %swap3A_612 = tpu.vector_load %arg12[%swap3A_610, %swap3A_611] {strides = array<i32>} : memref<128x64xf32, #tpu.memory_space<vmem>>, vector<1x16xf32>,
        %swap3A_613 = vector.shape_cast %swap3A_612 : vector<1x16xf32> to vector<16xf32>
        %swap3A_614 = vector.shape_cast %broadcast_in_dim3A_5 : vector<16xf32> to vector<1x16xf32>
        tpu.vector_store %arg12[%swap3A_610, %swap3A_611], %swap3A_614 {strides = array<i32>} : memref<128x64xf32, #tpu.memory_space<vmem>>, vector<1x16xf32>,
      }
      %add3A_559 = arith.constant 1 : i32
      %add3A_560 = arith.addi %select_n3A_530, %add3A_559 : i32
      %min3A_561 = arith.constant 31 : i32
      %min3A_562 = arith.minsi %add3A_560, %min3A_561 : i32
      %get3A_563 = arith.index_cast %min3A_562 : i32 to index
      %get3A_564 = tpu.vector_load %arg7[%get3A_563] {strides = array<i32>} : memref<48xi32, #tpu.memory_space<vmem>>, vector<16xi32>,
      %get3A_565 = vector.shape_cast %get3A_564 : vector<16xi32> to vector<16xi32>
      %slice3A_566 = vector.extract_strided_slice %get3A_565 {offsets = [0], sizes = [1], strides = [1]} : vector<16xi32> to vector<1xi32>
      %squeeze3A_567 = vector.extract %slice3A_566[0] : i32 from vector<1xi32>
      %add3A_568 = arith.addi %min3A_537, %squeeze3A_567 : i32
      %min3A_569 = arith.constant 128 : i32
      %min3A_570 = arith.minsi %add3A_568, %min3A_569 : i32
      %while3A_571 = arith.constant 0 : i32
      %while3A_572 = arith.constant 128 : i32
      %while3A_573 = arith.subi %while3A_572, %min3A_570 : i32
      %while3A_574 = arith.addi %min3A_570, %while3A_573 : i32
      %while3A_575 = arith.constant 1 : i32
      %while3A_576 = arith.divsi %while3A_573, %while3A_575 : i32
      %while3A_577 = arith.muli %while3A_576, %while3A_575 : i32
      %while3A_578 = arith.addi %min3A_570, %while3A_577 : i32
      %while3A_579 = arith.constant 1 : i32
      scf.for %while3A_595 = %min3A_570 to %while3A_578 step %while3A_579  : i32 {
        %swap3A = arith.index_cast %while3A_595 : i32 to index
        %swap3A_596 = arith.constant 0 : index
        %swap3A_597 = tpu.vector_load %arg12[%swap3A, %swap3A_596] {strides = array<i32>} : memref<128x64xf32, #tpu.memory_space<vmem>>, vector<1x16xf32>,
        %swap3A_598 = vector.shape_cast %swap3A_597 : vector<1x16xf32> to vector<16xf32>
        %swap3A_599 = vector.shape_cast %broadcast_in_dim3A_5 : vector<16xf32> to vector<1x16xf32>
        tpu.vector_store %arg12[%swap3A, %swap3A_596], %swap3A_599 {strides = array<i32>} : memref<128x64xf32, #tpu.memory_space<vmem>>, vector<1x16xf32>,
        %swap3A_600 = arith.index_cast %while3A_595 : i32 to index
        %swap3A_601 = arith.constant 16 : index
        %swap3A_602 = tpu.vector_load %arg12[%swap3A_600, %swap3A_601] {strides = array<i32>} : memref<128x64xf32, #tpu.memory_space<vmem>>, vector<1x16xf32>,
        %swap3A_603 = vector.shape_cast %swap3A_602 : vector<1x16xf32> to vector<16xf32>
        %swap3A_604 = vector.shape_cast %broadcast_in_dim3A_5 : vector<16xf32> to vector<1x16xf32>
        tpu.vector_store %arg12[%swap3A_600, %swap3A_601], %swap3A_604 {strides = array<i32>} : memref<128x64xf32, #tpu.memory_space<vmem>>, vector<1x16xf32>,
        %swap3A_605 = arith.index_cast %while3A_595 : i32 to index
        %swap3A_606 = arith.constant 32 : index
        %swap3A_607 = tpu.vector_load %arg12[%swap3A_605, %swap3A_606] {strides = array<i32>} : memref<128x64xf32, #tpu.memory_space<vmem>>, vector<1x16xf32>,
        %swap3A_608 = vector.shape_cast %swap3A_607 : vector<1x16xf32> to vector<16xf32>
        %swap3A_609 = vector.shape_cast %broadcast_in_dim3A_5 : vector<16xf32> to vector<1x16xf32>
        tpu.vector_store %arg12[%swap3A_605, %swap3A_606], %swap3A_609 {strides = array<i32>} : memref<128x64xf32, #tpu.memory_space<vmem>>, vector<1x16xf32>,
        %swap3A_610 = arith.index_cast %while3A_595 : i32 to index
        %swap3A_611 = arith.constant 48 : index
        %swap3A_612 = tpu.vector_load %arg12[%swap3A_610, %swap3A_611] {strides = array<i32>} : memref<128x64xf32, #tpu.memory_space<vmem>>, vector<1x16xf32>,
        %swap3A_613 = vector.shape_cast %swap3A_612 : vector<1x16xf32> to vector<16xf32>
        %swap3A_614 = vector.shape_cast %broadcast_in_dim3A_5 : vector<16xf32> to vector<1x16xf32>
        tpu.vector_store %arg12[%swap3A_610, %swap3A_611], %swap3A_614 {strides = array<i32>} : memref<128x64xf32, #tpu.memory_space<vmem>>, vector<1x16xf32>,
      }
      %while3A_580 = arith.constant 1 : i32
      scf.for %while3A_595 = %while3A_578 to %while3A_574 step %while3A_580  : i32 {
        %swap3A = arith.index_cast %while3A_595 : i32 to index
        %swap3A_596 = arith.constant 0 : index
        %swap3A_597 = tpu.vector_load %arg12[%swap3A, %swap3A_596] {strides = array<i32>} : memref<128x64xf32, #tpu.memory_space<vmem>>, vector<1x16xf32>,
        %swap3A_598 = vector.shape_cast %swap3A_597 : vector<1x16xf32> to vector<16xf32>
        %swap3A_599 = vector.shape_cast %broadcast_in_dim3A_5 : vector<16xf32> to vector<1x16xf32>
        tpu.vector_store %arg12[%swap3A, %swap3A_596], %swap3A_599 {strides = array<i32>} : memref<128x64xf32, #tpu.memory_space<vmem>>, vector<1x16xf32>,
        %swap3A_600 = arith.index_cast %while3A_595 : i32 to index
        %swap3A_601 = arith.constant 16 : index
        %swap3A_602 = tpu.vector_load %arg12[%swap3A_600, %swap3A_601] {strides = array<i32>} : memref<128x64xf32, #tpu.memory_space<vmem>>, vector<1x16xf32>,
        %swap3A_603 = vector.shape_cast %swap3A_602 : vector<1x16xf32> to vector<16xf32>
        %swap3A_604 = vector.shape_cast %broadcast_in_dim3A_5 : vector<16xf32> to vector<1x16xf32>
        tpu.vector_store %arg12[%swap3A_600, %swap3A_601], %swap3A_604 {strides = array<i32>} : memref<128x64xf32, #tpu.memory_space<vmem>>, vector<1x16xf32>,
        %swap3A_605 = arith.index_cast %while3A_595 : i32 to index
        %swap3A_606 = arith.constant 32 : index
        %swap3A_607 = tpu.vector_load %arg12[%swap3A_605, %swap3A_606] {strides = array<i32>} : memref<128x64xf32, #tpu.memory_space<vmem>>, vector<1x16xf32>,
        %swap3A_608 = vector.shape_cast %swap3A_607 : vector<1x16xf32> to vector<16xf32>
        %swap3A_609 = vector.shape_cast %broadcast_in_dim3A_5 : vector<16xf32> to vector<1x16xf32>
        tpu.vector_store %arg12[%swap3A_605, %swap3A_606], %swap3A_609 {strides = array<i32>} : memref<128x64xf32, #tpu.memory_space<vmem>>, vector<1x16xf32>,
        %swap3A_610 = arith.index_cast %while3A_595 : i32 to index
        %swap3A_611 = arith.constant 48 : index
        %swap3A_612 = tpu.vector_load %arg12[%swap3A_610, %swap3A_611] {strides = array<i32>} : memref<128x64xf32, #tpu.memory_space<vmem>>, vector<1x16xf32>,
        %swap3A_613 = vector.shape_cast %swap3A_612 : vector<1x16xf32> to vector<16xf32>
        %swap3A_614 = vector.shape_cast %broadcast_in_dim3A_5 : vector<16xf32> to vector<1x16xf32>
        tpu.vector_store %arg12[%swap3A_610, %swap3A_611], %swap3A_614 {strides = array<i32>} : memref<128x64xf32, #tpu.memory_space<vmem>>, vector<1x16xf32>,
      }
      %add3A_581 = arith.constant 4 : i32
      %add3A_582 = arith.addi %mul3A_106, %add3A_581 : i32
      %mul3A_583 = arith.constant 128 : i32
      %mul3A_584 = arith.muli %add3A_582, %mul3A_583 : i32
      %add3A_585 = arith.addi %mul3A_2, %mul3A_584 : i32
      %dma_start3A_586 = arith.constant 4 : i32
      %dma_start3A_587 = arith.constant 0 : i32
      %dma_start3A_588 = tpu.memref_slice %arg5[%add3A_585, %dma_start3A_587] : memref<204800x128xf32, #tpu.memory_space<hbm>> -> memref<128x64xf32, #tpu.memory_space<hbm>>
      %dma_start3A_589 = tpu.memref_slice %arg14[%dma_start3A_586] : memref<5x!tpu.dma_semaphore, #tpu.memory_space<semaphore_mem>> -> memref<1x!tpu.dma_semaphore, #tpu.memory_space<semaphore_mem>>
      %dma_start3A_590 = tpu.memref_squeeze %dma_start3A_589 : memref<1x!tpu.dma_semaphore, #tpu.memory_space<semaphore_mem>> -> memref<!tpu.dma_semaphore, #tpu.memory_space<semaphore_mem>>
      %dma_start3A_591 = arith.constant 0 : i32
      %dma_start3A_592 = tpu.memref_slice %arg5[%add3A_585, %dma_start3A_591] : memref<204800x128xf32, #tpu.memory_space<hbm>> -> memref<128x64xf32, #tpu.memory_space<hbm>>
      tpu.enqueue_dma source(%arg12 : memref<128x64xf32, #tpu.memory_space<vmem>>) target(%dma_start3A_592 : memref<128x64xf32, #tpu.memory_space<hbm>>) target_semaphore(%dma_start3A_590 : memref<!tpu.dma_semaphore, #tpu.memory_space<semaphore_mem>>)
      %lt3A = arith.constant 9 : i32
      %lt3A_593 = arith.cmpi slt, %scan3A_104, %lt3A : i32
      %convert_element_type3A = arith.extui %lt3A_593 : i1 to i32
      %cond3A = arith.constant 0 : i32
      %cond3A_594 = arith.cmpi ne, %convert_element_type3A, %cond3A : i32
      scf.if %cond3A_594 {
        %add3A_595 = arith.constant 0 : i32
        %add3A_596 = arith.addi %mul3A_2, %add3A_595 : i32
        %dma_wait3A_597 = arith.constant 0 : i32
        %dma_wait3A_598 = arith.constant 0 : i32
        %dma_wait3A_599 = tpu.memref_slice %arg5[%add3A_596, %dma_wait3A_598] : memref<204800x128xf32, #tpu.memory_space<hbm>> -> memref<128x64xf32, #tpu.memory_space<hbm>>
        %dma_wait3A_600 = tpu.memref_slice %arg14[%dma_wait3A_597] : memref<5x!tpu.dma_semaphore, #tpu.memory_space<semaphore_mem>> -> memref<1x!tpu.dma_semaphore, #tpu.memory_space<semaphore_mem>>
        %dma_wait3A_601 = tpu.memref_squeeze %dma_wait3A_600 : memref<1x!tpu.dma_semaphore, #tpu.memory_space<semaphore_mem>> -> memref<!tpu.dma_semaphore, #tpu.memory_space<semaphore_mem>>
        %dma_wait3A_602 = arith.constant 0 : i32
        %dma_wait3A_603 = tpu.memref_slice %arg5[%add3A_596, %dma_wait3A_602] : memref<204800x128xf32, #tpu.memory_space<hbm>> -> memref<128x64xf32, #tpu.memory_space<hbm>>
        tpu.wait_dma2 semaphore(%dma_wait3A_601 : memref<!tpu.dma_semaphore, #tpu.memory_space<semaphore_mem>>) src(%arg8 : memref<128x64xf32, #tpu.memory_space<vmem>>) dst(%dma_wait3A_603 : memref<128x64xf32, #tpu.memory_space<hbm>>)
        %add3A_604 = arith.constant 5 : i32
        %add3A_605 = arith.addi %mul3A_106, %add3A_604 : i32
        %add3A_606 = arith.constant 0 : i32
        %add3A_607 = arith.addi %add3A_605, %add3A_606 : i32
        %dma_start3A_608 = arith.constant 0 : i32
        %dma_start3A_609 = arith.constant 0 : i32
        %dma_start3A_610 = tpu.memref_slice %arg6[%add3A_607, %dma_start3A_609] : memref<50x128xi32, #tpu.memory_space<vmem>> -> memref<1x128xi32, #tpu.memory_space<vmem>>
        %dma_start3A_611 = tpu.memref_squeeze %dma_start3A_610 : memref<1x128xi32, #tpu.memory_space<vmem>> -> memref<128xi32, #tpu.memory_space<vmem>>
        %dma_start3A_612 = arith.constant 0 : i32
        %dma_start3A_613 = arith.constant 0 : i32
        %dma_start3A_614 = tpu.memref_slice %arg4[%dma_start3A_612, %dma_start3A_613] : memref<1000000x64xf32, #tpu.memory_space<hbm>> -> memref<1000000x64xf32, #tpu.memory_space<hbm>>
        %dma_start3A_615 = tpu.memref_slice %arg13[%dma_start3A_608] : memref<5x!tpu.dma_semaphore, #tpu.memory_space<semaphore_mem>> -> memref<1x!tpu.dma_semaphore, #tpu.memory_space<semaphore_mem>>
        %dma_start3A_616 = tpu.memref_squeeze %dma_start3A_615 : memref<1x!tpu.dma_semaphore, #tpu.memory_space<semaphore_mem>> -> memref<!tpu.dma_semaphore, #tpu.memory_space<semaphore_mem>>
        tpu.enqueue_indirect_dma source(%dma_start3A_614 : memref<1000000x64xf32, #tpu.memory_space<hbm>>) target(%arg8 : memref<128x64xf32, #tpu.memory_space<vmem>>) offsets(%dma_start3A_611 : memref<128xi32, #tpu.memory_space<vmem>>) semaphore(%dma_start3A_616 : memref<!tpu.dma_semaphore, #tpu.memory_space<semaphore_mem>>)
        %add3A_617 = arith.constant 0 : i32
        %add3A_618 = arith.addi %mul3A_2, %add3A_617 : i32
        %dma_wait3A_619 = arith.constant 1 : i32
        %dma_wait3A_620 = arith.constant 0 : i32
        %dma_wait3A_621 = tpu.memref_slice %arg5[%add3A_618, %dma_wait3A_620] : memref<204800x128xf32, #tpu.memory_space<hbm>> -> memref<128x64xf32, #tpu.memory_space<hbm>>
        %dma_wait3A_622 = tpu.memref_slice %arg14[%dma_wait3A_619] : memref<5x!tpu.dma_semaphore, #tpu.memory_space<semaphore_mem>> -> memref<1x!tpu.dma_semaphore, #tpu.memory_space<semaphore_mem>>
        %dma_wait3A_623 = tpu.memref_squeeze %dma_wait3A_622 : memref<1x!tpu.dma_semaphore, #tpu.memory_space<semaphore_mem>> -> memref<!tpu.dma_semaphore, #tpu.memory_space<semaphore_mem>>
        %dma_wait3A_624 = arith.constant 0 : i32
        %dma_wait3A_625 = tpu.memref_slice %arg5[%add3A_618, %dma_wait3A_624] : memref<204800x128xf32, #tpu.memory_space<hbm>> -> memref<128x64xf32, #tpu.memory_space<hbm>>
        tpu.wait_dma2 semaphore(%dma_wait3A_623 : memref<!tpu.dma_semaphore, #tpu.memory_space<semaphore_mem>>) src(%arg9 : memref<128x64xf32, #tpu.memory_space<vmem>>) dst(%dma_wait3A_625 : memref<128x64xf32, #tpu.memory_space<hbm>>)
        %add3A_626 = arith.constant 5 : i32
        %add3A_627 = arith.addi %mul3A_106, %add3A_626 : i32
        %add3A_628 = arith.constant 1 : i32
        %add3A_629 = arith.addi %add3A_627, %add3A_628 : i32
        %dma_start3A_630 = arith.constant 1 : i32
        %dma_start3A_631 = arith.constant 0 : i32
        %dma_start3A_632 = tpu.memref_slice %arg6[%add3A_629, %dma_start3A_631] : memref<50x128xi32, #tpu.memory_space<vmem>> -> memref<1x128xi32, #tpu.memory_space<vmem>>
        %dma_start3A_633 = tpu.memref_squeeze %dma_start3A_632 : memref<1x128xi32, #tpu.memory_space<vmem>> -> memref<128xi32, #tpu.memory_space<vmem>>
        %dma_start3A_634 = arith.constant 0 : i32
        %dma_start3A_635 = arith.constant 0 : i32
        %dma_start3A_636 = tpu.memref_slice %arg4[%dma_start3A_634, %dma_start3A_635] : memref<1000000x64xf32, #tpu.memory_space<hbm>> -> memref<1000000x64xf32, #tpu.memory_space<hbm>>
        %dma_start3A_637 = tpu.memref_slice %arg13[%dma_start3A_630] : memref<5x!tpu.dma_semaphore, #tpu.memory_space<semaphore_mem>> -> memref<1x!tpu.dma_semaphore, #tpu.memory_space<semaphore_mem>>
        %dma_start3A_638 = tpu.memref_squeeze %dma_start3A_637 : memref<1x!tpu.dma_semaphore, #tpu.memory_space<semaphore_mem>> -> memref<!tpu.dma_semaphore, #tpu.memory_space<semaphore_mem>>
        tpu.enqueue_indirect_dma source(%dma_start3A_636 : memref<1000000x64xf32, #tpu.memory_space<hbm>>) target(%arg9 : memref<128x64xf32, #tpu.memory_space<vmem>>) offsets(%dma_start3A_633 : memref<128xi32, #tpu.memory_space<vmem>>) semaphore(%dma_start3A_638 : memref<!tpu.dma_semaphore, #tpu.memory_space<semaphore_mem>>)
        %add3A_639 = arith.constant 0 : i32
        %add3A_640 = arith.addi %mul3A_2, %add3A_639 : i32
        %dma_wait3A_641 = arith.constant 2 : i32
        %dma_wait3A_642 = arith.constant 0 : i32
        %dma_wait3A_643 = tpu.memref_slice %arg5[%add3A_640, %dma_wait3A_642] : memref<204800x128xf32, #tpu.memory_space<hbm>> -> memref<128x64xf32, #tpu.memory_space<hbm>>
        %dma_wait3A_644 = tpu.memref_slice %arg14[%dma_wait3A_641] : memref<5x!tpu.dma_semaphore, #tpu.memory_space<semaphore_mem>> -> memref<1x!tpu.dma_semaphore, #tpu.memory_space<semaphore_mem>>
        %dma_wait3A_645 = tpu.memref_squeeze %dma_wait3A_644 : memref<1x!tpu.dma_semaphore, #tpu.memory_space<semaphore_mem>> -> memref<!tpu.dma_semaphore, #tpu.memory_space<semaphore_mem>>
        %dma_wait3A_646 = arith.constant 0 : i32
        %dma_wait3A_647 = tpu.memref_slice %arg5[%add3A_640, %dma_wait3A_646] : memref<204800x128xf32, #tpu.memory_space<hbm>> -> memref<128x64xf32, #tpu.memory_space<hbm>>
        tpu.wait_dma2 semaphore(%dma_wait3A_645 : memref<!tpu.dma_semaphore, #tpu.memory_space<semaphore_mem>>) src(%arg10 : memref<128x64xf32, #tpu.memory_space<vmem>>) dst(%dma_wait3A_647 : memref<128x64xf32, #tpu.memory_space<hbm>>)
        %add3A_648 = arith.constant 5 : i32
        %add3A_649 = arith.addi %mul3A_106, %add3A_648 : i32
        %add3A_650 = arith.constant 2 : i32
        %add3A_651 = arith.addi %add3A_649, %add3A_650 : i32
        %dma_start3A_652 = arith.constant 2 : i32
        %dma_start3A_653 = arith.constant 0 : i32
        %dma_start3A_654 = tpu.memref_slice %arg6[%add3A_651, %dma_start3A_653] : memref<50x128xi32, #tpu.memory_space<vmem>> -> memref<1x128xi32, #tpu.memory_space<vmem>>
        %dma_start3A_655 = tpu.memref_squeeze %dma_start3A_654 : memref<1x128xi32, #tpu.memory_space<vmem>> -> memref<128xi32, #tpu.memory_space<vmem>>
        %dma_start3A_656 = arith.constant 0 : i32
        %dma_start3A_657 = arith.constant 0 : i32
        %dma_start3A_658 = tpu.memref_slice %arg4[%dma_start3A_656, %dma_start3A_657] : memref<1000000x64xf32, #tpu.memory_space<hbm>> -> memref<1000000x64xf32, #tpu.memory_space<hbm>>
        %dma_start3A_659 = tpu.memref_slice %arg13[%dma_start3A_652] : memref<5x!tpu.dma_semaphore, #tpu.memory_space<semaphore_mem>> -> memref<1x!tpu.dma_semaphore, #tpu.memory_space<semaphore_mem>>
        %dma_start3A_660 = tpu.memref_squeeze %dma_start3A_659 : memref<1x!tpu.dma_semaphore, #tpu.memory_space<semaphore_mem>> -> memref<!tpu.dma_semaphore, #tpu.memory_space<semaphore_mem>>
        tpu.enqueue_indirect_dma source(%dma_start3A_658 : memref<1000000x64xf32, #tpu.memory_space<hbm>>) target(%arg10 : memref<128x64xf32, #tpu.memory_space<vmem>>) offsets(%dma_start3A_655 : memref<128xi32, #tpu.memory_space<vmem>>) semaphore(%dma_start3A_660 : memref<!tpu.dma_semaphore, #tpu.memory_space<semaphore_mem>>)
        %add3A_661 = arith.constant 0 : i32
        %add3A_662 = arith.addi %mul3A_2, %add3A_661 : i32
        %dma_wait3A_663 = arith.constant 3 : i32
        %dma_wait3A_664 = arith.constant 0 : i32
        %dma_wait3A_665 = tpu.memref_slice %arg5[%add3A_662, %dma_wait3A_664] : memref<204800x128xf32, #tpu.memory_space<hbm>> -> memref<128x64xf32, #tpu.memory_space<hbm>>
        %dma_wait3A_666 = tpu.memref_slice %arg14[%dma_wait3A_663] : memref<5x!tpu.dma_semaphore, #tpu.memory_space<semaphore_mem>> -> memref<1x!tpu.dma_semaphore, #tpu.memory_space<semaphore_mem>>
        %dma_wait3A_667 = tpu.memref_squeeze %dma_wait3A_666 : memref<1x!tpu.dma_semaphore, #tpu.memory_space<semaphore_mem>> -> memref<!tpu.dma_semaphore, #tpu.memory_space<semaphore_mem>>
        %dma_wait3A_668 = arith.constant 0 : i32
        %dma_wait3A_669 = tpu.memref_slice %arg5[%add3A_662, %dma_wait3A_668] : memref<204800x128xf32, #tpu.memory_space<hbm>> -> memref<128x64xf32, #tpu.memory_space<hbm>>
        tpu.wait_dma2 semaphore(%dma_wait3A_667 : memref<!tpu.dma_semaphore, #tpu.memory_space<semaphore_mem>>) src(%arg11 : memref<128x64xf32, #tpu.memory_space<vmem>>) dst(%dma_wait3A_669 : memref<128x64xf32, #tpu.memory_space<hbm>>)
        %add3A_670 = arith.constant 5 : i32
        %add3A_671 = arith.addi %mul3A_106, %add3A_670 : i32
        %add3A_672 = arith.constant 3 : i32
        %add3A_673 = arith.addi %add3A_671, %add3A_672 : i32
        %dma_start3A_674 = arith.constant 3 : i32
        %dma_start3A_675 = arith.constant 0 : i32
        %dma_start3A_676 = tpu.memref_slice %arg6[%add3A_673, %dma_start3A_675] : memref<50x128xi32, #tpu.memory_space<vmem>> -> memref<1x128xi32, #tpu.memory_space<vmem>>
        %dma_start3A_677 = tpu.memref_squeeze %dma_start3A_676 : memref<1x128xi32, #tpu.memory_space<vmem>> -> memref<128xi32, #tpu.memory_space<vmem>>
        %dma_start3A_678 = arith.constant 0 : i32
        %dma_start3A_679 = arith.constant 0 : i32
        %dma_start3A_680 = tpu.memref_slice %arg4[%dma_start3A_678, %dma_start3A_679] : memref<1000000x64xf32, #tpu.memory_space<hbm>> -> memref<1000000x64xf32, #tpu.memory_space<hbm>>
        %dma_start3A_681 = tpu.memref_slice %arg13[%dma_start3A_674] : memref<5x!tpu.dma_semaphore, #tpu.memory_space<semaphore_mem>> -> memref<1x!tpu.dma_semaphore, #tpu.memory_space<semaphore_mem>>
        %dma_start3A_682 = tpu.memref_squeeze %dma_start3A_681 : memref<1x!tpu.dma_semaphore, #tpu.memory_space<semaphore_mem>> -> memref<!tpu.dma_semaphore, #tpu.memory_space<semaphore_mem>>
        tpu.enqueue_indirect_dma source(%dma_start3A_680 : memref<1000000x64xf32, #tpu.memory_space<hbm>>) target(%arg11 : memref<128x64xf32, #tpu.memory_space<vmem>>) offsets(%dma_start3A_677 : memref<128xi32, #tpu.memory_space<vmem>>) semaphore(%dma_start3A_682 : memref<!tpu.dma_semaphore, #tpu.memory_space<semaphore_mem>>)
        %add3A_683 = arith.constant 0 : i32
        %add3A_684 = arith.addi %mul3A_2, %add3A_683 : i32
        %dma_wait3A_685 = arith.constant 4 : i32
        %dma_wait3A_686 = arith.constant 0 : i32
        %dma_wait3A_687 = tpu.memref_slice %arg5[%add3A_684, %dma_wait3A_686] : memref<204800x128xf32, #tpu.memory_space<hbm>> -> memref<128x64xf32, #tpu.memory_space<hbm>>
        %dma_wait3A_688 = tpu.memref_slice %arg14[%dma_wait3A_685] : memref<5x!tpu.dma_semaphore, #tpu.memory_space<semaphore_mem>> -> memref<1x!tpu.dma_semaphore, #tpu.memory_space<semaphore_mem>>
        %dma_wait3A_689 = tpu.memref_squeeze %dma_wait3A_688 : memref<1x!tpu.dma_semaphore, #tpu.memory_space<semaphore_mem>> -> memref<!tpu.dma_semaphore, #tpu.memory_space<semaphore_mem>>
        %dma_wait3A_690 = arith.constant 0 : i32
        %dma_wait3A_691 = tpu.memref_slice %arg5[%add3A_684, %dma_wait3A_690] : memref<204800x128xf32, #tpu.memory_space<hbm>> -> memref<128x64xf32, #tpu.memory_space<hbm>>
        tpu.wait_dma2 semaphore(%dma_wait3A_689 : memref<!tpu.dma_semaphore, #tpu.memory_space<semaphore_mem>>) src(%arg12 : memref<128x64xf32, #tpu.memory_space<vmem>>) dst(%dma_wait3A_691 : memref<128x64xf32, #tpu.memory_space<hbm>>)
        %add3A_692 = arith.constant 5 : i32
        %add3A_693 = arith.addi %mul3A_106, %add3A_692 : i32
        %add3A_694 = arith.constant 4 : i32
        %add3A_695 = arith.addi %add3A_693, %add3A_694 : i32
        %dma_start3A_696 = arith.constant 4 : i32
        %dma_start3A_697 = arith.constant 0 : i32
        %dma_start3A_698 = tpu.memref_slice %arg6[%add3A_695, %dma_start3A_697] : memref<50x128xi32, #tpu.memory_space<vmem>> -> memref<1x128xi32, #tpu.memory_space<vmem>>
        %dma_start3A_699 = tpu.memref_squeeze %dma_start3A_698 : memref<1x128xi32, #tpu.memory_space<vmem>> -> memref<128xi32, #tpu.memory_space<vmem>>
        %dma_start3A_700 = arith.constant 0 : i32
        %dma_start3A_701 = arith.constant 0 : i32
        %dma_start3A_702 = tpu.memref_slice %arg4[%dma_start3A_700, %dma_start3A_701] : memref<1000000x64xf32, #tpu.memory_space<hbm>> -> memref<1000000x64xf32, #tpu.memory_space<hbm>>
        %dma_start3A_703 = tpu.memref_slice %arg13[%dma_start3A_696] : memref<5x!tpu.dma_semaphore, #tpu.memory_space<semaphore_mem>> -> memref<1x!tpu.dma_semaphore, #tpu.memory_space<semaphore_mem>>
        %dma_start3A_704 = tpu.memref_squeeze %dma_start3A_703 : memref<1x!tpu.dma_semaphore, #tpu.memory_space<semaphore_mem>> -> memref<!tpu.dma_semaphore, #tpu.memory_space<semaphore_mem>>
        tpu.enqueue_indirect_dma source(%dma_start3A_702 : memref<1000000x64xf32, #tpu.memory_space<hbm>>) target(%arg12 : memref<128x64xf32, #tpu.memory_space<vmem>>) offsets(%dma_start3A_699 : memref<128xi32, #tpu.memory_space<vmem>>) semaphore(%dma_start3A_704 : memref<!tpu.dma_semaphore, #tpu.memory_space<semaphore_mem>>)
      } else {
      }
    }
    %scan3A_59 = arith.constant 10 : i32
    %add3A_60 = arith.constant 0 : i32
    %add3A_61 = arith.addi %mul3A_2, %add3A_60 : i32
    %dma_wait3A = arith.constant 0 : i32
    %dma_wait3A_62 = arith.constant 0 : i32
    %dma_wait3A_63 = tpu.memref_slice %arg5[%add3A_61, %dma_wait3A_62] : memref<204800x128xf32, #tpu.memory_space<hbm>> -> memref<128x64xf32, #tpu.memory_space<hbm>>
    %dma_wait3A_64 = tpu.memref_slice %arg14[%dma_wait3A] : memref<5x!tpu.dma_semaphore, #tpu.memory_space<semaphore_mem>> -> memref<1x!tpu.dma_semaphore, #tpu.memory_space<semaphore_mem>>
    %dma_wait3A_65 = tpu.memref_squeeze %dma_wait3A_64 : memref<1x!tpu.dma_semaphore, #tpu.memory_space<semaphore_mem>> -> memref<!tpu.dma_semaphore, #tpu.memory_space<semaphore_mem>>
    %dma_wait3A_66 = arith.constant 0 : i32
    %dma_wait3A_67 = tpu.memref_slice %arg5[%add3A_61, %dma_wait3A_66] : memref<204800x128xf32, #tpu.memory_space<hbm>> -> memref<128x64xf32, #tpu.memory_space<hbm>>
    tpu.wait_dma2 semaphore(%dma_wait3A_65 : memref<!tpu.dma_semaphore, #tpu.memory_space<semaphore_mem>>) src(%arg8 : memref<128x64xf32, #tpu.memory_space<vmem>>) dst(%dma_wait3A_67 : memref<128x64xf32, #tpu.memory_space<hbm>>)
    %add3A_68 = arith.constant 0 : i32
    %add3A_69 = arith.addi %mul3A_2, %add3A_68 : i32
    %dma_wait3A_70 = arith.constant 1 : i32
    %dma_wait3A_71 = arith.constant 0 : i32
    %dma_wait3A_72 = tpu.memref_slice %arg5[%add3A_69, %dma_wait3A_71] : memref<204800x128xf32, #tpu.memory_space<hbm>> -> memref<128x64xf32, #tpu.memory_space<hbm>>
    %dma_wait3A_73 = tpu.memref_slice %arg14[%dma_wait3A_70] : memref<5x!tpu.dma_semaphore, #tpu.memory_space<semaphore_mem>> -> memref<1x!tpu.dma_semaphore, #tpu.memory_space<semaphore_mem>>
    %dma_wait3A_74 = tpu.memref_squeeze %dma_wait3A_73 : memref<1x!tpu.dma_semaphore, #tpu.memory_space<semaphore_mem>> -> memref<!tpu.dma_semaphore, #tpu.memory_space<semaphore_mem>>
    %dma_wait3A_75 = arith.constant 0 : i32
    %dma_wait3A_76 = tpu.memref_slice %arg5[%add3A_69, %dma_wait3A_75] : memref<204800x128xf32, #tpu.memory_space<hbm>> -> memref<128x64xf32, #tpu.memory_space<hbm>>
    tpu.wait_dma2 semaphore(%dma_wait3A_74 : memref<!tpu.dma_semaphore, #tpu.memory_space<semaphore_mem>>) src(%arg9 : memref<128x64xf32, #tpu.memory_space<vmem>>) dst(%dma_wait3A_76 : memref<128x64xf32, #tpu.memory_space<hbm>>)
    %add3A_77 = arith.constant 0 : i32
    %add3A_78 = arith.addi %mul3A_2, %add3A_77 : i32
    %dma_wait3A_79 = arith.constant 2 : i32
    %dma_wait3A_80 = arith.constant 0 : i32
    %dma_wait3A_81 = tpu.memref_slice %arg5[%add3A_78, %dma_wait3A_80] : memref<204800x128xf32, #tpu.memory_space<hbm>> -> memref<128x64xf32, #tpu.memory_space<hbm>>
    %dma_wait3A_82 = tpu.memref_slice %arg14[%dma_wait3A_79] : memref<5x!tpu.dma_semaphore, #tpu.memory_space<semaphore_mem>> -> memref<1x!tpu.dma_semaphore, #tpu.memory_space<semaphore_mem>>
    %dma_wait3A_83 = tpu.memref_squeeze %dma_wait3A_82 : memref<1x!tpu.dma_semaphore, #tpu.memory_space<semaphore_mem>> -> memref<!tpu.dma_semaphore, #tpu.memory_space<semaphore_mem>>
    %dma_wait3A_84 = arith.constant 0 : i32
    %dma_wait3A_85 = tpu.memref_slice %arg5[%add3A_78, %dma_wait3A_84] : memref<204800x128xf32, #tpu.memory_space<hbm>> -> memref<128x64xf32, #tpu.memory_space<hbm>>
    tpu.wait_dma2 semaphore(%dma_wait3A_83 : memref<!tpu.dma_semaphore, #tpu.memory_space<semaphore_mem>>) src(%arg10 : memref<128x64xf32, #tpu.memory_space<vmem>>) dst(%dma_wait3A_85 : memref<128x64xf32, #tpu.memory_space<hbm>>)
    %add3A_86 = arith.constant 0 : i32
    %add3A_87 = arith.addi %mul3A_2, %add3A_86 : i32
    %dma_wait3A_88 = arith.constant 3 : i32
    %dma_wait3A_89 = arith.constant 0 : i32
    %dma_wait3A_90 = tpu.memref_slice %arg5[%add3A_87, %dma_wait3A_89] : memref<204800x128xf32, #tpu.memory_space<hbm>> -> memref<128x64xf32, #tpu.memory_space<hbm>>
    %dma_wait3A_91 = tpu.memref_slice %arg14[%dma_wait3A_88] : memref<5x!tpu.dma_semaphore, #tpu.memory_space<semaphore_mem>> -> memref<1x!tpu.dma_semaphore, #tpu.memory_space<semaphore_mem>>
    %dma_wait3A_92 = tpu.memref_squeeze %dma_wait3A_91 : memref<1x!tpu.dma_semaphore, #tpu.memory_space<semaphore_mem>> -> memref<!tpu.dma_semaphore, #tpu.memory_space<semaphore_mem>>
    %dma_wait3A_93 = arith.constant 0 : i32
    %dma_wait3A_94 = tpu.memref_slice %arg5[%add3A_87, %dma_wait3A_93] : memref<204800x128xf32, #tpu.memory_space<hbm>> -> memref<128x64xf32, #tpu.memory_space<hbm>>
    tpu.wait_dma2 semaphore(%dma_wait3A_92 : memref<!tpu.dma_semaphore, #tpu.memory_space<semaphore_mem>>) src(%arg11 : memref<128x64xf32, #tpu.memory_space<vmem>>) dst(%dma_wait3A_94 : memref<128x64xf32, #tpu.memory_space<hbm>>)
    %add3A_95 = arith.constant 0 : i32
    %add3A_96 = arith.addi %mul3A_2, %add3A_95 : i32
    %dma_wait3A_97 = arith.constant 4 : i32
    %dma_wait3A_98 = arith.constant 0 : i32
    %dma_wait3A_99 = tpu.memref_slice %arg5[%add3A_96, %dma_wait3A_98] : memref<204800x128xf32, #tpu.memory_space<hbm>> -> memref<128x64xf32, #tpu.memory_space<hbm>>
    %dma_wait3A_100 = tpu.memref_slice %arg14[%dma_wait3A_97] : memref<5x!tpu.dma_semaphore, #tpu.memory_space<semaphore_mem>> -> memref<1x!tpu.dma_semaphore, #tpu.memory_space<semaphore_mem>>
    %dma_wait3A_101 = tpu.memref_squeeze %dma_wait3A_100 : memref<1x!tpu.dma_semaphore, #tpu.memory_space<semaphore_mem>> -> memref<!tpu.dma_semaphore, #tpu.memory_space<semaphore_mem>>
    %dma_wait3A_102 = arith.constant 0 : i32
    %dma_wait3A_103 = tpu.memref_slice %arg5[%add3A_96, %dma_wait3A_102] : memref<204800x128xf32, #tpu.memory_space<hbm>> -> memref<128x64xf32, #tpu.memory_space<hbm>>
    tpu.wait_dma2 semaphore(%dma_wait3A_101 : memref<!tpu.dma_semaphore, #tpu.memory_space<semaphore_mem>>) src(%arg12 : memref<128x64xf32, #tpu.memory_space<vmem>>) dst(%dma_wait3A_103 : memref<128x64xf32, #tpu.memory_space<hbm>>)
    return
  }
}

</mosaic_0001>

<sc_bundles>
// kernel: _run.3.cloned.1.call-start
scs
__scs_entry_jumppad:
0x0: {  	(pc) =	sbr.rel $0x88, $3  }
0x1: {  	(tag) =	ssettag $0x0;
	lr =	simm.s32 $0x1  }
0x2: {  	[smem:$0x3F9E] =	sst lr;
	_ =	strace $0xD0000000  }
0x3: {  	_ = 	snop  }
0x4: {  	_ = 	snop  }
0x5: {  	_ = 	snop  }
0x6: {  	_ = 	snop  }
0x7: {  	_ = 	snop  }
__scs_overlays_trampoline_lowered:
0x8: {  	[smem:$0x3FAD] =	sst s0  }
0x9: {  	[smem:$0x3FAE] =	sst s1  }
0xa: {  	[smem:$0x3FAF] =	sst s2  }
0xb: {  	[smem:$0x3FB0] =	sst s3  }
0xc: {  	[smem:$0x3FB1] =	sst s4  }
0xd: {  	[smem:$0x3FB2] =	sst s5  }
0xe: {  	[smem:$0x3FB3] =	sst s6  }
0xf: {  	[smem:$0x3FB4] =	sst s7  }
0x10: {  	[smem:$0x3FB5] =	sst s8  }
0x11: {  	[smem:$0x3FB6] =	sst s9;
	s0 =	simm.s32 @!p0 $0x0  }
0x12: {  	s1 =	sld [smem:$0x3F9C];
	s0 =	simm.s32 @p0 $0x1  }
0x13: {  	[smem:$0x3FB7] =	sst s0;
	s0 =	simm.s32 @!p1 $0x0  }
0x14: {  	s2 =	sld [smem:$0x3F9B];
	s0 =	simm.s32 @p1 $0x1  }
0x15: {  	[smem:$0x3FB8] =	sst s0;
	s0 =	simm.s32 @!p2 $0x0  }
0x16: {  	s3 =	sld [smem:$0x3FDB];
	s0 =	simm.s32 @p2 $0x1  }
0x17: {  	s4 =	simm.s32 $0x1BF5;
	[smem:$0x3FBA] =	sst s0  }
0x18: {  	s0 =	sld [smem:$0x3F9D];
	_ =	swait.ge [sflag:s4], $0x0  }
0x19: {  	s7 =	sld [smem:$0x3F9E]  }
0x1a: {  	s8 =	sadd.s32 $0xFFFFE003, lr  }
0x1b: {  	s9 =	sadd.s32 $0xFFFFFEF7, lr;
	s5 =	simm.s32 $0xFFFFFFFF;
	p2 =	slt.u32 s8, $0xFFFFF086  }
0x1c: {  	p1 =	slt.u32 s9, $0xF7A;
	s5 =	simm.s32 @!p2 $0x0  }
0x1d: {  	s5 =	simm.s32 @p1 $0x1;
	p0 =	seq.s32 s7, s2  }
0x1e: {  	s7 =	smul.u32 @!p0 $0xF7A, s2;
	p2 =	seq.s32 @!p0 s5, $0x0  }
0x1f: {  	s9 =	smul.u32 $0xF7A, s1;
	s8 =	simm.s32 @!p0 $0x1BF5;
	p2 =	por !p2, p0  }
0x20: {  	[sflag:s8] =	ssyncset.s32 @!p0 $0xFFFFF086;
	s6 =	sadd.s32 @!p0 s3, s7;
	s7 =	simm.s32 @!p0 $0x108  }
0x21: {  	s3 =	sadd.s32 s3, s9;
	s6 =	sadd.s32 @!p0 $0x88, s6;
	s7 =	simm.s32 @p2 $0x1082  }
0x22: {  	[simem:s7], [sflag:s8] =	dma.local @!p0 [hbm:s6], $0xF7A  }
0x23: {  	s9 =	sor.u32 $0xD0000000, s2;
	s6 =	simm.s32 $0x108;
	_ =	swait.ge @!p0 [sflag:s8], $0x0  }
0x24: {  	s3 =	sadd.s32 $0x88, s3;
	s6 =	simm.s32 @!p1 $0x1082;
	[sflag:s4] =	ssyncset.s32 $0xFFFFF086  }
0x25: {  	[simem:s6], [sflag:s4] =	dma.local [hbm:s3], $0xF7A  }
0x26: {  	[smem:$0x3F9E] =	sst s1;
	(tag) =	ssettag s2;
	_ =	strace s9  }
0x27: {  	s1 =	sld [smem:$0x3FAE]  }
0x28: {  	s2 =	sld [smem:$0x3FAF]  }
0x29: {  	s4 =	sld [smem:$0x3FB1]  }
0x2a: {  	p0 =	seq.s32 s5, $0x0;
	s5 =	sld [smem:$0x3FB2]  }
0x2b: {  	s6 =	sld [smem:$0x3FB3]  }
0x2c: {  	s7 =	sld [smem:$0x3FB4]  }
0x2d: {  	s3 =	simm.s32 $0x108;
	s8 =	sld [smem:$0x3FB5]  }
0x2e: {  	s3 =	simm.s32 @!p0 $0x1082;
	s9 =	sld [smem:$0x3FB6]  }
0x2f: {  	lr =	sadd.s32 s0, s3;
	s0 =	sld [smem:$0x3FAD]  }
0x30: {  	s3 =	sld [smem:$0x3FB0]  }
0x31: {  	[smem:$0x3FB9] =	sst s10  }
0x32: {  	s10 =	sld [smem:$0x3FB7];
	_ =	sdelay $0x3  }
0x33: {  	p0 =	seq.s32 s10, $0x1;
	s10 =	sld [smem:$0x3FB9];
	_ =	sdelay $0x3  }
0x34: {  	[smem:$0x3FB9] =	sst s10  }
0x35: {  	s10 =	sld [smem:$0x3FB8];
	_ =	sdelay $0x3  }
0x36: {  	p1 =	seq.s32 s10, $0x1;
	s10 =	sld [smem:$0x3FB9];
	_ =	sdelay $0x3  }
0x37: {  	[smem:$0x3FB9] =	sst s10  }
0x38: {  	s10 =	sld [smem:$0x3FBA]  }
0x39: {  	_ = 	snop;
	(pc) =	sbr.ind lr, $3  }
0x3a: {  	_ = 	snop  }
0x3b: {  	_ = 	snop  }
0x3c: {  	p2 =	seq.s32 s10, $0x1;
	s10 =	sld [smem:$0x3FB9]  }
0x3d: {  	_ =	shalt  }
0x3e: {  	_ =	shalt  }
0x3f: {  	_ =	shalt  }
0x40: {  	_ =	shalt  }
0x41: {  	_ =	shalt  }
0x42: {  	_ =	shalt  }
0x43: {  	_ =	shalt  }
0x44: {  	_ =	shalt  }
0x45: {  	_ =	shalt  }
0x46: {  	_ =	shalt  }
0x47: {  	_ =	shalt  }
0x48: {  	_ =	shalt  }
0x49: {  	_ =	shalt  }
0x4a: {  	_ =	shalt  }
0x4b: {  	_ =	shalt  }
0x4c: {  	_ =	shalt  }
0x4d: {  	_ =	shalt  }
0x4e: {  	_ =	shalt  }
0x4f: {  	_ =	shalt  }
0x50: {  	_ =	shalt  }
0x51: {  	_ =	shalt  }
0x52: {  	_ =	shalt  }
0x53: {  	_ =	shalt  }
0x54: {  	_ =	shalt  }
0x55: {  	_ =	shalt  }
0x56: {  	_ =	shalt  }
0x57: {  	_ =	shalt  }
0x58: {  	_ =	shalt  }
0x59: {  	_ =	shalt  }
0x5a: {  	_ =	shalt  }
0x5b: {  	_ =	shalt  }
0x5c: {  	_ =	shalt  }
0x5d: {  	_ =	shalt  }
0x5e: {  	_ =	shalt  }
0x5f: {  	_ =	shalt  }
0x60: {  	_ =	shalt  }
0x61: {  	_ =	shalt  }
0x62: {  	_ =	shalt  }
0x63: {  	_ =	shalt  }
0x64: {  	_ =	shalt  }
0x65: {  	_ =	shalt  }
0x66: {  	_ =	shalt  }
0x67: {  	_ =	shalt  }
0x68: {  	_ =	shalt  }
0x69: {  	_ =	shalt  }
0x6a: {  	_ =	shalt  }
0x6b: {  	_ =	shalt  }
0x6c: {  	_ =	shalt  }
0x6d: {  	_ =	shalt  }
0x6e: {  	_ =	shalt  }
0x6f: {  	_ =	shalt  }
0x70: {  	_ =	shalt  }
0x71: {  	_ =	shalt  }
0x72: {  	_ =	shalt  }
0x73: {  	_ =	shalt  }
0x74: {  	_ =	shalt  }
0x75: {  	_ =	shalt  }
0x76: {  	_ =	shalt  }
0x77: {  	_ =	shalt  }
0x78: {  	_ =	shalt  }
0x79: {  	_ =	shalt  }
0x7a: {  	_ =	shalt  }
0x7b: {  	_ =	shalt  }
0x7c: {  	_ =	shalt  }
0x7d: {  	_ =	shalt  }
0x7e: {  	_ =	shalt  }
0x7f: {  	_ =	shalt  }
0x80: {  	_ =	shalt  }
0x81: {  	_ =	shalt  }
0x82: {  	_ =	shalt  }
0x83: {  	_ =	shalt  }
0x84: {  	_ =	shalt  }
0x85: {  	_ =	shalt  }
0x86: {  	_ =	shalt  }
0x87: {  	_ =	shalt  }
.Lfunc_end0:
.L_simem_size_0:
called_computation_lowered:
.L_overlay_start_0:
0x88: {  	s2 =	sld [smem:$0x3FD9]  }
0x89: {  	s3 =	sld [smem:$0x3FFE];
	_ =	sdelay $0x1  }
0x8a: {  	s1 =	srdreg.scid  }
0x8b: {  	s0 =	sand.u32 $0x1, s1  }
0x8c: {  	s17 =	sshll.u32 s0, $0xA;
	s2 =	sadd.s32 s3, s2  }
0x8d: {  	s2 =	sadd.s32 s2, s17  }
0x8e: {  	[smem:$0x3FC5] =	sst s2  }
0x8f: {  	_ = 	snop  }
0x90: {  	s2 =	sld [smem:$0x3FC8]  }
0x91: {  	s18 =	sld [smem:$0x3FD0];
	(tm) =	ssettm $0x1  }
0x92: {  	s4 =	sld [smem:$0x3FFB];
	_ =	sdelay $0x3  }
0x93: {  	_ =	strace s4  }
0x94: {  	s4 =	sld [smem:$0x3FFC];
	_ =	sdelay $0x3  }
0x95: {  	_ =	strace s4  }
0x96: {  	s4 =	sld [smem:$0x3FFD];
	_ =	sdelay $0x3  }
0x97: {  	_ =	strace s4  }
0x98: {  	_ =	strace $0x8FFFFFFF  }
0x99: {  	s19 =	sld [smem:$0x3FDB];
	_ =	sdelay $0x1  }
0x9a: {  	s5 =	simm.s32 $_scs_section_size  }
0x9b: {  	s6 =	simm.s32 $_size__tile_overlayer_lowered;
	s7 =	simm.s32 $_tile_overlayer_lowered  }
0x9c: {  	s22 =	simm.s32 $0x1BFF;
	s21 =	sshll.u32 s7, $0x1;
	s4 =	sadd.s32 s5, s19  }
0x9d: {  	s8 =	simm.s32 $0x0;
	s20 =	sshll.u32 s6, $0x1;
	s6 =	sadd.s32 s21, s4  }
0x9e: {  	[timem:s8], [sflag:s22] =	dma.local [hbm:s6], s20  }
0x9f: {  	_ =	swait.ge [sflag:s22], s20  }
0xa0: {  	s5 =	ssub.s32 $0x0, s20;
	[sflag:s22] =	ssyncset.done $0x0  }
0xa1: {  	[sflag:s22] =	ssyncadd.s32 s5;
	_ =	sdelay $0x1  }
0xa2: {  	s23 =	simm.s32 $0x1B8B  }
0xa3: {  	_ =	swait.ge [sflag:s23], $0x1  }
0xa4: {  	[sflag:s23] =	ssyncset.done $0x0  }
0xa5: {  	s25 =	simm.s32 $0x1B8E;
	s24 =	sld [smem:$0x3FFE];
	[sflag:s23] =	ssyncadd.s32 $0xFFFFFFFF  }
0xa6: {  	s26 =	simm.s32 $execute0_lowered;
	[smem:$0x3FD2] =	sst s25  }
0xa7: {  	s6 =	sshll.u32 s26, $0x1;
	_ =	strace $0x80000046;
	[dreg:$0x1] =	wrdreg $0xFFFFFFFF  }
0xa8: {  	s28 =	simm.s32 $_size_execute0_lowered;
	s4 =	sadd.s32 s4, s6;
	[dreg:$0x0] =	wrdreg $0x0  }
0xa9: {  	s6 =	sshll.u32 s28, $0x1;
	[dreg:$0x2] =	wrdreg s4  }
0xaa: {  	[dreg:$0x3] =	wrdreg s6  }
0xab: {  	[dreg:$0x4] =	wrdreg $0xC0  }
0xac: {  	_ =	task [dreg:s8], $0x5FFFF  }
0xad: {  	[dreg:$0x1] =	wrdreg $0xFFFFFFFF  }
0xae: {  	[dreg:$0x0] =	wrdreg $0x60  }
0xaf: {  	[dreg:$0x2] =	wrdreg s24  }
0xb0: {  	[dreg:$0x3] =	wrdreg s2  }
0xb1: {  	[dreg:$0x4] =	wrdreg s18  }
0xb2: {  	[dreg:$0x5] =	wrdreg $0x9  }
0xb3: {  	_ =	task.clear_ibuf [dreg:s8], $0x6FFFF;
	_ =	strace $0x90000046  }
0xb4: {  	s29 =	simm.s32 $0x9;
	_ =	strace $0x80000048  }
0xb5: {  	_ =	swait.ge [sflag:s29], $0x1  }
0xb6: {  	[sflag:s29] =	ssyncadd.s32 $0xFFFFFFFF  }
0xb7: {  	_ =	strace $0x90000048  }
0xb8: {  	_ =	sfence  }
0xb9: {  	s30 =	sld [smem:$0x0];
	_ =	sdelay $0x2  }
0xba: {  	s31 =	sshll.u32 s1, $0xD;
	s1 =	sshrl.u32 s1, $0x2  }
0xbb: {  	s3 =	sand.u32 $0x4000, s31;
	s1 =	sadd.s32 s1, s30  }
0xbc: {  	s0 =	sor.u32 s3, s0;
	s1 =	sshll.u32 s1, $0x11  }
0xbd: {  	s0 =	sor.u32 s1, s0  }
0xbe: {  	s0 =	sadd.s32 $0x8F2B, s0  }
0xbf: {  	[sflag:s0] =	ssyncadd.remote.s32 $0x1  }
0xc0: {  	_ =	sfence.sel $0xFFFF  }
0xc1: {  	[dreg:$0x0] =	wrdreg $0xFFFFFFFF;
	(pc) =	sbr.abs _section_cstart, $3  }
0xc2: {  	[dreg:$0x1] =	wrdreg $0xFFFFFFFF  }
0xc3: {  	_ =	task.clear_ibuf [dreg:s8], $0x2FFFF;
	_ =	strace $0x9FFFFFFF  }
0xc4: {  	(tm) =	ssettm $0x7FFFFFFF  }
0xc5: {  	_ =	shalt  }
tec
execute0_lowered:
.L_overlay_start_1:
0x0: {  	(tag) =	ssettag $0x1  }
0x1: {  	s0 =	srdreg.scid;
	s1 =	rddreg [dreg:$0x0]  }
0x2: {  	s2 =	stileid.u32;
	s4 =	rddreg [dreg:$0x1]  }
0x3: {  	s5 =	simm.s32 $0x0;
	s24 =	simm.s32 $0x1930;
	s21 =	simm.s32 $0x9930  }
0x4: {  	s17 =	simm.s32 $0x40;
	s18 =	simm.s32 $0x80;
	s25 =	simm.s32 $0x8  }
0x5: {  	s0 =	sand.u32 $0x1, s0;
	s2 =	sshll.u32 s2, $0x1;
	[smem:$0x7FF] =	sst s5  }
0x6: {  	s28 =	simm.s32 $0xA;
	s6 =	sor.u32 s0, s2;
	s2 =	rddreg [dreg:$0x2]  }
0x7: {  	_ =	strace $0x80000047;
	s0 =	ssub.s32 $0x2, s0;
	s3 =	smul.u32 $0x1900, s6  }
.Ltmp0:
0x8: {  	s29 =	sshrl.u32 s0, $0x1;
	s6 =	sshll.u32 s6, $0x2;
	(pc) =	sbr.rel .LBB2_1-.Ltmp0, $4  }
0x9: {  	s0 =	ssub.s32 s0, s29;
	s31 =	sadd.s32 s4, s6;
	s26 =	sshrl.u32 s3, $0x3  }
0xa: {  	[dreg:$0x5] =	wrdreg s31;
	s0 =	smax.u32 s0, $0x1;
	s7 =	sadd.s32 s26, s1  }
0xb: {  	s5 =	sadd.s32 $0xF42A00, s1;
	[dreg:$0x6] =	wrdreg s0;
	s30 =	sadd.s32 $0x600, s7  }
0xc: {  	v0 =	vimm.f32 $0.0e+00;
	s26 =	simm.s32 $0x9;
	s1 =	simm.s32 $0x0;
	[dreg:$0x4] =	wrdreg s30  }
.LBB2_44:
0xd: {  	s0 =	simm.s32 $0x7  }
0xe: {  	_ =	swait.ge [sflag:s0], $0x2000  }
0xf: {  	[sflag:s0] =	ssyncset.done $0x0  }
0x10: {  	[sflag:s0] =	ssyncadd.s32 $0xFFFFE000  }
0x11: {  	_ =	swait.ge [sflag:s25], $0x2000  }
0x12: {  	[sflag:s25] =	ssyncset.done $0x0  }
0x13: {  	[sflag:s25] =	ssyncadd.s32 $0xFFFFE000  }
0x14: {  	_ =	swait.ge [sflag:s26], $0x2000  }
0x15: {  	[sflag:s26] =	ssyncset.done $0x0  }
0x16: {  	[sflag:s26] =	ssyncadd.s32 $0xFFFFE000  }
0x17: {  	_ =	swait.ge [sflag:s28], $0x2000  }
0x18: {  	s1 =	rddreg [dreg:$0x7]  }
0x19: {  	s31 =	rddreg [dreg:$0x6];
	s1 =	sadd.s32 $0x1, s1  }
0x1a: {  	p0 =	sne.s32 s1, s31  }
.Ltmp1:
0x1b: {  	_ = 	snop;
	(pc) =	sbr.rel @!p0 .LBB2_45-.Ltmp1, $3  }
0x1c: {  	_ =	sdelay $0x1  }
0x1d: {  	[sflag:s28] =	ssyncset.done $0x0  }
0x1e: {  	[sflag:s28] =	ssyncadd.s32 $0xFFFFE000  }
.LBB2_1:
0x1f: {  	[dreg:$0x7] =	wrdreg s1  }
0x20: {  	s0 =	simm.s32 $0x0;
	s16 =	rddreg [dreg:$0x4];
	s4 =	simm.s32 $0xB  }
0x21: {  	[tilespmem:s0], [sflag:$0xB] =	stream.linear.gather [hbm4b:s16+s0], $0x1900, $0x38;
	[tilespmem:$0xB930] =	vst v63  }
0x22: {  	_ =	swait.ge [sflag:s4], $0x1900  }
0x23: {  	s6 =	simm.s32 $0x1900;
	[sflag:s4] =	ssyncset.done $0x0  }
0x24: {  	s20 =	simm.s32 $0x3930;
	s19 =	rddreg [dreg:$0x5];
	[sflag:s4] =	ssyncadd.s32 $0xFFFFE700  }
0x25: {  	[tilespmem:s6], [sflag:$0xB] =	stream.linear.gather [hbm4b:s19+s0], $0x20, $0x38;
	[tilespmem:$0xB930] =	vst v63  }
0x26: {  	s30 =	simm.s32 $0x100;
	s22 =	simm.s32 $0x5930;
	_ =	swait.ge [sflag:s4], $0x20  }
0x27: {  	s31 =	simm.s32 $0x180;
	s23 =	simm.s32 $0x7930;
	[sflag:s4] =	ssyncset.done $0x0  }
0x28: {  	s1 =	simm.s32 $0x200;
	s10 =	simm.s32 $0xFFFFFF80;
	[sflag:s4] =	ssyncadd.s32 $0xFFFFFFE0  }
0x29: {  	[tilespmem:s24], [sflag:$0x1] =	stream.indirect.gather [hbm4b:s5+s18], $0x40, s0, s18, $0xb8;
	[tilespmem:$0xB930] =	vst v63  }
0x2a: {  	s7 =	simm.s32 $0xFFFFFF00;
	s8 =	simm.s32 $0xFFFFFFC8;
	s9 =	simm.s32 $0xFFFFFF48  }
0x2b: {  	[tilespmem:s20], [sflag:$0x2] =	stream.indirect.gather [hbm4b:s5+s18], $0x40, s18, s18, $0xb8;
	[tilespmem:$0xB930] =	vst v63  }
0x2c: {  	s29 =	simm.s32 $0xFFFFFE00;
	s11 =	simm.s32 $0xFFFFFEC8;
	s12 =	simm.s32 $0x80  }
0x2d: {  	[tilespmem:s22], [sflag:$0x3] =	stream.indirect.gather [hbm4b:s5+s18], $0x40, s30, s18, $0xb8;
	[tilespmem:$0xB930] =	vst v63  }
0x2e: {  	s13 =	simm.s32 $0x0;
	s14 =	simm.s32 $0x0;
	s15 =	simm.s32 $0x0  }
0x2f: {  	[tilespmem:s23], [sflag:$0x4] =	stream.indirect.gather [hbm4b:s5+s18], $0x40, s31, s18, $0xb8;
	[tilespmem:$0xB930] =	vst v63  }
0x30: {  	s6 =	simm.s32 $0x48;
	s4 =	simm.s32 $0xFFFFFE80;
	s0 =	simm.s32 $0xC8  }
0x31: {  	[tilespmem:s21], [sflag:$0x5] =	stream.indirect.gather [hbm4b:s5+s18], $0x40, s1, s18, $0xb8;
	[tilespmem:$0xB930] =	vst v63  }
.LBB2_2:
0x32: {  	s16 =	smul.u32 $0x280, s15;
	_ =	sdelay $0x1  }
0x33: {  	s19 =	sand.u32 $0xFF80, s16  }
0x34: {  	s20 =	simm.s32 $0x1;
	s19 =	sshrl.u32 s19, $0x3  }
0x35: {  	_ =	swait.ge [sflag:s20], $0x2000;
	s19 =	smul.u32 $0x147B, s19  }
0x36: {  	[sflag:s20] =	ssyncset.done $0x0  }
0x37: {  	[sflag:s20] =	ssyncadd.s32 $0xFFFFE000;
	s19 =	sshrl.u32 s19, $0x11  }
0x38: {  	v1 =	vld [tilespmem:s19+$0x1900];
	_ =	sdelay $0x4  }
0x39: {  	(v2sf) =	vpush v1, $0x0;
	_ =	sdelay $0xc  }
0x3a: {  	s23 =	smul.u32 $0xC8, s19;
	_ =	sdelay $0x1  }
0x3b: {  	s21 =	ssub.s32 s23, s16;
	s22 =	spop (v2sf)  }
0x3c: {  	s20 =	sadd.s32 $0xC8, s21;
	s23 =	sadd.s32 s22, s21  }
0x3d: {  	p0 =	slt.s32 s20, $0x80;
	p1 =	sgt.s32 s23, $0x0  }
0x3e: {  	s20 =	simm.s32 @!p0 $0x80;
	s23 =	simm.s32 @!p1 $0x0  }
0x3f: {  	p0 =	sge.s32 s23, s20  }
.Ltmp2:
0x40: {  	_ = 	snop;
	(pc) =	sbr.rel @p0 .LBB2_6-.Ltmp2, $3  }
0x41: {  	s21 =	smulhi.u32 $0x51EB851F, s13;
	_ =	sdelay $0x1  }
0x42: {  	s21 =	sshrl.u32 s21, $0x6  }
0x43: {  	s21 =	smul.u32 $0xC8, s21  }
0x44: {  	s22 =	sadd.s32 s14, s22  }
0x45: {  	s22 =	sadd.s32 s21, s22  }
0x46: {  	p0 =	sgt.s32 s22, $0x0  }
0x47: {  	s23 =	sadd.s32 $0x1, s23;
	s22 =	simm.s32 @!p0 $0x0  }
0x48: {  	p0 =	slt.s32 s23, s20;
	s22 =	sshll.u32 s22, $0x8  }
.Ltmp3:
0x49: {  	s22 =	sshra.s32 s22, $0x2;
	(pc) =	sbr.rel @!p0 .LBB2_5-.Ltmp3, $4  }
0x4a: {  	s22 =	sadd.s32 $0x1950, s22  }
0x4b: {  	[tilespmem:s22+$0xFFFFFFE0] =	vst v0  }
0x4c: {  	[tilespmem:s22+$0x10] =	vst v0  }
0x4d: {  	[tilespmem:s22+$0x0] =	vst v0  }
.LBB2_4:
0x4e: {  	s23 =	sadd.s32 $0x1, s23  }
0x4f: {  	[tilespmem:s22+$0xFFFFFFF0] =	vst v0;
	s22 =	sadd.s32 $0x40, s22;
	p0 =	slt.s32 s23, s20  }
.Ltmp4:
0x50: {  	[tilespmem:s22+$0xFFFFFFE0] =	vst v0;
	(pc) =	sbr.rel @p0 .LBB2_4-.Ltmp4, $3  }
0x51: {  	_ =	sdelay $0x1  }
0x52: {  	[tilespmem:s22+$0x10] =	vst v0  }
0x53: {  	[tilespmem:s22+$0x0] =	vst v0  }
.LBB2_5:
0x54: {  	[tilespmem:s22+$0xFFFFFFF0] =	vst v0  }
.LBB2_6:
0x55: {  	s19 =	sadd.s32 $0x1, s19  }
0x56: {  	s19 =	smin.u32 s19, $0x1F  }
0x57: {  	v1 =	vld [tilespmem:s19+$0x1900];
	_ =	sdelay $0x4  }
0x58: {  	(v2sf) =	vpush v1, $0x0;
	_ =	sdelay $0xe  }
0x59: {  	s19 =	spop (v2sf)  }
0x5a: {  	s20 =	sadd.s32 s20, s19  }
0x5b: {  	p0 =	sgt.s32 s20, $0x7F  }
.Ltmp5:
0x5c: {  	_ = 	snop;
	(pc) =	sbr.rel @p0 .LBB2_10-.Ltmp5, $1  }
0x5d: {  	_ =	sdelay $0x3  }
0x5e: {  	s20 =	sadd.s32 s21, s0  }
0x5f: {  	p0 =	slt.s32 s20, $0x80  }
0x60: {  	s20 =	simm.s32 @!p0 $0x80  }
0x61: {  	s19 =	sadd.s32 s20, s19  }
0x62: {  	s20 =	sshll.u32 s19, $0x8  }
0x63: {  	s23 =	sadd.s32 $0xFFFFFFFF, s19;
	s20 =	sshra.s32 s20, $0x2  }
0x64: {  	s19 =	sadd.s32 $0x1950, s20;
	s20 =	sadd.s32 $0x1, s23  }
0x65: {  	p0 =	slt.s32 s20, $0x7F  }
.Ltmp6:
0x66: {  	_ = 	snop;
	(pc) =	sbr.rel @!p0 .LBB2_9-.Ltmp6, $4  }
0x67: {  	_ = 	snop  }
0x68: {  	[tilespmem:s19+$0xFFFFFFE0] =	vst v0  }
0x69: {  	[tilespmem:s19+$0x10] =	vst v0  }
0x6a: {  	[tilespmem:s19+$0x0] =	vst v0  }
.LBB2_8:
0x6b: {  	s20 =	sadd.s32 $0x1, s20  }
0x6c: {  	[tilespmem:s19+$0xFFFFFFF0] =	vst v0;
	s19 =	sadd.s32 $0x40, s19;
	p0 =	slt.s32 s20, $0x7F  }
.Ltmp7:
0x6d: {  	[tilespmem:s19+$0xFFFFFFE0] =	vst v0;
	(pc) =	sbr.rel @p0 .LBB2_8-.Ltmp7, $3  }
0x6e: {  	_ =	sdelay $0x1  }
0x6f: {  	[tilespmem:s19+$0x10] =	vst v0  }
0x70: {  	[tilespmem:s19+$0x0] =	vst v0  }
.LBB2_9:
0x71: {  	[tilespmem:s19+$0xFFFFFFF0] =	vst v0  }
.LBB2_10:
0x72: {  	s19 =	sadd.s32 s3, s16  }
0x73: {  	s19 =	sshll.u32 s19, $0x4  }
0x74: {  	s19 =	sadd.s32 s2, s19  }
0x75: {  	[hbm4b:s19+s17] =	stream.strided.scatter [tilespmem:s24], [sflag:$0x6], $0x2000, s18, s17, $0x38;
	[tilespmem:$0xB930] =	vst v63  }
0x76: {  	s21 =	simm.s32 $0x2;
	s19 =	sadd.s32 $0x80, s16  }
0x77: {  	_ =	swait.ge [sflag:s21], $0x2000;
	s20 =	smulhi.u32 $0x51EB851F, s19  }
0x78: {  	[sflag:s21] =	ssyncset.done $0x0  }
0x79: {  	[sflag:s21] =	ssyncadd.s32 $0xFFFFE000;
	s20 =	sshrl.u32 s20, $0x6  }
0x7a: {  	v1 =	vld [tilespmem:s20+$0x1900];
	_ =	sdelay $0x4  }
0x7b: {  	(v2sf) =	vpush v1, $0x0;
	_ =	sdelay $0xc  }
0x7c: {  	s24 =	smul.u32 $0xC8, s20;
	_ =	sdelay $0x1  }
0x7d: {  	s22 =	ssub.s32 s24, s16;
	s23 =	spop (v2sf)  }
0x7e: {  	s21 =	ssub.s32 s24, s19;
	s22 =	sadd.s32 s23, s22  }
0x7f: {  	s21 =	sadd.s32 $0xC8, s21;
	s24 =	sadd.s32 $0xFFFFFF80, s22  }
0x80: {  	p0 =	slt.s32 s21, $0x80;
	p1 =	sgt.s32 s24, $0x0  }
0x81: {  	s21 =	simm.s32 @!p0 $0x80;
	s24 =	simm.s32 @!p1 $0x0  }
0x82: {  	p0 =	sge.s32 s24, s21  }
.Ltmp8:
0x83: {  	_ = 	snop;
	(pc) =	sbr.rel @p0 .LBB2_14-.Ltmp8, $3  }
0x84: {  	s22 =	smulhi.u32 $0x51EB851F, s12;
	_ =	sdelay $0x1  }
0x85: {  	s22 =	sshrl.u32 s22, $0x6  }
0x86: {  	s22 =	smul.u32 $0xC8, s22  }
0x87: {  	s23 =	sadd.s32 s10, s23  }
0x88: {  	s23 =	sadd.s32 s22, s23  }
0x89: {  	p0 =	sgt.s32 s23, $0x0  }
0x8a: {  	s24 =	sadd.s32 $0x1, s24;
	s23 =	simm.s32 @!p0 $0x0  }
0x8b: {  	p0 =	slt.s32 s24, s21;
	s23 =	sshll.u32 s23, $0x8  }
.Ltmp9:
0x8c: {  	s23 =	sshra.s32 s23, $0x2;
	(pc) =	sbr.rel @!p0 .LBB2_13-.Ltmp9, $4  }
0x8d: {  	s23 =	sadd.s32 $0x3950, s23  }
0x8e: {  	[tilespmem:s23+$0xFFFFFFE0] =	vst v0  }
0x8f: {  	[tilespmem:s23+$0x10] =	vst v0  }
0x90: {  	[tilespmem:s23+$0x0] =	vst v0  }
.LBB2_12:
0x91: {  	s24 =	sadd.s32 $0x1, s24  }
0x92: {  	[tilespmem:s23+$0xFFFFFFF0] =	vst v0;
	s23 =	sadd.s32 $0x40, s23;
	p0 =	slt.s32 s24, s21  }
.Ltmp10:
0x93: {  	[tilespmem:s23+$0xFFFFFFE0] =	vst v0;
	(pc) =	sbr.rel @p0 .LBB2_12-.Ltmp10, $3  }
0x94: {  	_ =	sdelay $0x1  }
0x95: {  	[tilespmem:s23+$0x10] =	vst v0  }
0x96: {  	[tilespmem:s23+$0x0] =	vst v0  }
.LBB2_13:
0x97: {  	[tilespmem:s23+$0xFFFFFFF0] =	vst v0  }
.LBB2_14:
0x98: {  	s20 =	sadd.s32 $0x1, s20  }
0x99: {  	s20 =	smin.u32 s20, $0x1F  }
0x9a: {  	v1 =	vld [tilespmem:s20+$0x1900];
	_ =	sdelay $0x4  }
0x9b: {  	(v2sf) =	vpush v1, $0x0;
	_ =	sdelay $0xe  }
0x9c: {  	s20 =	spop (v2sf)  }
0x9d: {  	s21 =	sadd.s32 s21, s20  }
0x9e: {  	p0 =	sgt.s32 s21, $0x7F  }
.Ltmp11:
0x9f: {  	_ = 	snop;
	(pc) =	sbr.rel @p0 .LBB2_18-.Ltmp11, $1  }
0xa0: {  	_ =	sdelay $0x3  }
0xa1: {  	s21 =	sadd.s32 s22, s6  }
0xa2: {  	p0 =	slt.s32 s21, $0x80  }
0xa3: {  	s21 =	simm.s32 @!p0 $0x80  }
0xa4: {  	s20 =	sadd.s32 s21, s20  }
0xa5: {  	s21 =	sshll.u32 s20, $0x8  }
0xa6: {  	s24 =	sadd.s32 $0xFFFFFFFF, s20;
	s21 =	sshra.s32 s21, $0x2  }
0xa7: {  	s20 =	sadd.s32 $0x3950, s21;
	s21 =	sadd.s32 $0x1, s24  }
0xa8: {  	p0 =	slt.s32 s21, $0x7F  }
.Ltmp12:
0xa9: {  	_ = 	snop;
	(pc) =	sbr.rel @!p0 .LBB2_17-.Ltmp12, $4  }
0xaa: {  	_ = 	snop  }
0xab: {  	[tilespmem:s20+$0xFFFFFFE0] =	vst v0  }
0xac: {  	[tilespmem:s20+$0x10] =	vst v0  }
0xad: {  	[tilespmem:s20+$0x0] =	vst v0  }
.LBB2_16:
0xae: {  	s21 =	sadd.s32 $0x1, s21  }
0xaf: {  	[tilespmem:s20+$0xFFFFFFF0] =	vst v0;
	s20 =	sadd.s32 $0x40, s20;
	p0 =	slt.s32 s21, $0x7F  }
.Ltmp13:
0xb0: {  	[tilespmem:s20+$0xFFFFFFE0] =	vst v0;
	(pc) =	sbr.rel @p0 .LBB2_16-.Ltmp13, $3  }
0xb1: {  	_ =	sdelay $0x1  }
0xb2: {  	[tilespmem:s20+$0x10] =	vst v0  }
0xb3: {  	[tilespmem:s20+$0x0] =	vst v0  }
.LBB2_17:
0xb4: {  	[tilespmem:s20+$0xFFFFFFF0] =	vst v0  }
.LBB2_18:
0xb5: {  	s19 =	sadd.s32 s3, s19  }
0xb6: {  	s19 =	sshll.u32 s19, $0x4  }
0xb7: {  	s19 =	sand.u32 $0x1FFFF800, s19  }
0xb8: {  	s20 =	simm.s32 $0x3930;
	s19 =	sadd.s32 s2, s19  }
0xb9: {  	[hbm4b:s19+s17] =	stream.strided.scatter [tilespmem:s20], [sflag:$0x7], $0x2000, s18, s17, $0x38;
	[tilespmem:$0xB930] =	vst v63  }
0xba: {  	s21 =	simm.s32 $0x3;
	s19 =	sadd.s32 $0x100, s16  }
0xbb: {  	_ =	swait.ge [sflag:s21], $0x2000;
	s23 =	smulhi.u32 $0x51EB851F, s19  }
0xbc: {  	[sflag:s21] =	ssyncset.done $0x0  }
0xbd: {  	[sflag:s21] =	ssyncadd.s32 $0xFFFFE000;
	s20 =	sshrl.u32 s23, $0x6  }
0xbe: {  	v1 =	vld [tilespmem:s20+$0x1900];
	_ =	sdelay $0x4  }
0xbf: {  	(v2sf) =	vpush v1, $0x0;
	_ =	sdelay $0xc  }
0xc0: {  	s24 =	smul.u32 $0xC8, s20;
	_ =	sdelay $0x1  }
0xc1: {  	s22 =	ssub.s32 s24, s16;
	s23 =	spop (v2sf)  }
0xc2: {  	s21 =	ssub.s32 s24, s19;
	s22 =	sadd.s32 s23, s22  }
0xc3: {  	s21 =	sadd.s32 $0xC8, s21;
	s24 =	sadd.s32 $0xFFFFFF00, s22  }
0xc4: {  	p0 =	slt.s32 s21, $0x80;
	p1 =	sgt.s32 s24, $0x0  }
0xc5: {  	s21 =	simm.s32 @!p0 $0x80;
	s24 =	simm.s32 @!p1 $0x0  }
0xc6: {  	p0 =	sge.s32 s24, s21  }
.Ltmp14:
0xc7: {  	_ = 	snop;
	(pc) =	sbr.rel @p0 .LBB2_22-.Ltmp14, $3  }
0xc8: {  	s22 =	smulhi.u32 $0x51EB851F, s30;
	_ =	sdelay $0x1  }
0xc9: {  	s22 =	sshrl.u32 s22, $0x6  }
0xca: {  	s22 =	smul.u32 $0xC8, s22  }
0xcb: {  	s23 =	sadd.s32 s7, s23  }
0xcc: {  	s23 =	sadd.s32 s22, s23  }
0xcd: {  	p0 =	sgt.s32 s23, $0x0  }
0xce: {  	s24 =	sadd.s32 $0x1, s24;
	s23 =	simm.s32 @!p0 $0x0  }
0xcf: {  	p0 =	slt.s32 s24, s21;
	s23 =	sshll.u32 s23, $0x8  }
.Ltmp15:
0xd0: {  	s23 =	sshra.s32 s23, $0x2;
	(pc) =	sbr.rel @!p0 .LBB2_21-.Ltmp15, $4  }
0xd1: {  	s23 =	sadd.s32 $0x5950, s23  }
0xd2: {  	[tilespmem:s23+$0xFFFFFFE0] =	vst v0  }
0xd3: {  	[tilespmem:s23+$0x10] =	vst v0  }
0xd4: {  	[tilespmem:s23+$0x0] =	vst v0  }
.LBB2_20:
0xd5: {  	s24 =	sadd.s32 $0x1, s24  }
0xd6: {  	[tilespmem:s23+$0xFFFFFFF0] =	vst v0;
	s23 =	sadd.s32 $0x40, s23;
	p0 =	slt.s32 s24, s21  }
.Ltmp16:
0xd7: {  	[tilespmem:s23+$0xFFFFFFE0] =	vst v0;
	(pc) =	sbr.rel @p0 .LBB2_20-.Ltmp16, $3  }
0xd8: {  	_ =	sdelay $0x1  }
0xd9: {  	[tilespmem:s23+$0x10] =	vst v0  }
0xda: {  	[tilespmem:s23+$0x0] =	vst v0  }
.LBB2_21:
0xdb: {  	[tilespmem:s23+$0xFFFFFFF0] =	vst v0  }
.LBB2_22:
0xdc: {  	s20 =	sadd.s32 $0x1, s20  }
0xdd: {  	s20 =	smin.u32 s20, $0x1F  }
0xde: {  	v1 =	vld [tilespmem:s20+$0x1900];
	_ =	sdelay $0x4  }
0xdf: {  	(v2sf) =	vpush v1, $0x0;
	_ =	sdelay $0xe  }
0xe0: {  	s20 =	spop (v2sf)  }
0xe1: {  	s21 =	sadd.s32 s21, s20  }
0xe2: {  	p0 =	sgt.s32 s21, $0x7F  }
.Ltmp17:
0xe3: {  	_ = 	snop;
	(pc) =	sbr.rel @p0 .LBB2_26-.Ltmp17, $1  }
0xe4: {  	_ =	sdelay $0x3  }
0xe5: {  	s21 =	sadd.s32 s22, s8  }
0xe6: {  	p0 =	slt.s32 s21, $0x80  }
0xe7: {  	s21 =	simm.s32 @!p0 $0x80  }
0xe8: {  	s20 =	sadd.s32 s21, s20  }
0xe9: {  	s21 =	sshll.u32 s20, $0x8  }
0xea: {  	s24 =	sadd.s32 $0xFFFFFFFF, s20;
	s21 =	sshra.s32 s21, $0x2  }
0xeb: {  	s20 =	sadd.s32 $0x5950, s21;
	s21 =	sadd.s32 $0x1, s24  }
0xec: {  	p0 =	slt.s32 s21, $0x7F  }
.Ltmp18:
0xed: {  	_ = 	snop;
	(pc) =	sbr.rel @!p0 .LBB2_25-.Ltmp18, $4  }
0xee: {  	_ = 	snop  }
0xef: {  	[tilespmem:s20+$0xFFFFFFE0] =	vst v0  }
0xf0: {  	[tilespmem:s20+$0x10] =	vst v0  }
0xf1: {  	[tilespmem:s20+$0x0] =	vst v0  }
.LBB2_24:
0xf2: {  	s21 =	sadd.s32 $0x1, s21  }
0xf3: {  	[tilespmem:s20+$0xFFFFFFF0] =	vst v0;
	s20 =	sadd.s32 $0x40, s20;
	p0 =	slt.s32 s21, $0x7F  }
.Ltmp19:
0xf4: {  	[tilespmem:s20+$0xFFFFFFE0] =	vst v0;
	(pc) =	sbr.rel @p0 .LBB2_24-.Ltmp19, $3  }
0xf5: {  	_ =	sdelay $0x1  }
0xf6: {  	[tilespmem:s20+$0x10] =	vst v0  }
0xf7: {  	[tilespmem:s20+$0x0] =	vst v0  }
.LBB2_25:
0xf8: {  	[tilespmem:s20+$0xFFFFFFF0] =	vst v0  }
.LBB2_26:
0xf9: {  	s19 =	sadd.s32 s3, s19  }
0xfa: {  	s19 =	sshll.u32 s19, $0x4  }
0xfb: {  	s19 =	sand.u32 $0x1FFFF800, s19  }
0xfc: {  	s20 =	simm.s32 $0x5930;
	s19 =	sadd.s32 s2, s19  }
0xfd: {  	[hbm4b:s19+s17] =	stream.strided.scatter [tilespmem:s20], [sflag:$0x8], $0x2000, s18, s17, $0x38;
	[tilespmem:$0xB930] =	vst v63  }
0xfe: {  	s21 =	simm.s32 $0x4;
	s19 =	sadd.s32 $0x180, s16  }
0xff: {  	_ =	swait.ge [sflag:s21], $0x2000;
	s23 =	smulhi.u32 $0x51EB851F, s19  }
0x100: {  	[sflag:s21] =	ssyncset.done $0x0  }
0x101: {  	[sflag:s21] =	ssyncadd.s32 $0xFFFFE000;
	s20 =	sshrl.u32 s23, $0x6  }
0x102: {  	v1 =	vld [tilespmem:s20+$0x1900];
	_ =	sdelay $0x4  }
0x103: {  	(v2sf) =	vpush v1, $0x0;
	_ =	sdelay $0xc  }
0x104: {  	s24 =	smul.u32 $0xC8, s20;
	_ =	sdelay $0x1  }
0x105: {  	s22 =	ssub.s32 s24, s16;
	s23 =	spop (v2sf)  }
0x106: {  	s21 =	ssub.s32 s24, s19;
	s22 =	sadd.s32 s23, s22  }
0x107: {  	s21 =	sadd.s32 $0xC8, s21;
	s24 =	sadd.s32 $0xFFFFFE80, s22  }
0x108: {  	p0 =	slt.s32 s21, $0x80;
	p1 =	sgt.s32 s24, $0x0  }
0x109: {  	s21 =	simm.s32 @!p0 $0x80;
	s24 =	simm.s32 @!p1 $0x0  }
0x10a: {  	p0 =	sge.s32 s24, s21  }
.Ltmp20:
0x10b: {  	_ = 	snop;
	(pc) =	sbr.rel @p0 .LBB2_30-.Ltmp20, $3  }
0x10c: {  	s22 =	smulhi.u32 $0x51EB851F, s31;
	_ =	sdelay $0x1  }
0x10d: {  	s22 =	sshrl.u32 s22, $0x6  }
0x10e: {  	s22 =	smul.u32 $0xC8, s22  }
0x10f: {  	s23 =	sadd.s32 s4, s23  }
0x110: {  	s23 =	sadd.s32 s22, s23  }
0x111: {  	p0 =	sgt.s32 s23, $0x0  }
0x112: {  	s24 =	sadd.s32 $0x1, s24;
	s23 =	simm.s32 @!p0 $0x0  }
0x113: {  	p0 =	slt.s32 s24, s21;
	s23 =	sshll.u32 s23, $0x8  }
.Ltmp21:
0x114: {  	s23 =	sshra.s32 s23, $0x2;
	(pc) =	sbr.rel @!p0 .LBB2_29-.Ltmp21, $4  }
0x115: {  	s23 =	sadd.s32 $0x7950, s23  }
0x116: {  	[tilespmem:s23+$0xFFFFFFE0] =	vst v0  }
0x117: {  	[tilespmem:s23+$0x10] =	vst v0  }
0x118: {  	[tilespmem:s23+$0x0] =	vst v0  }
.LBB2_28:
0x119: {  	s24 =	sadd.s32 $0x1, s24  }
0x11a: {  	[tilespmem:s23+$0xFFFFFFF0] =	vst v0;
	s23 =	sadd.s32 $0x40, s23;
	p0 =	slt.s32 s24, s21  }
.Ltmp22:
0x11b: {  	[tilespmem:s23+$0xFFFFFFE0] =	vst v0;
	(pc) =	sbr.rel @p0 .LBB2_28-.Ltmp22, $3  }
0x11c: {  	_ =	sdelay $0x1  }
0x11d: {  	[tilespmem:s23+$0x10] =	vst v0  }
0x11e: {  	[tilespmem:s23+$0x0] =	vst v0  }
.LBB2_29:
0x11f: {  	[tilespmem:s23+$0xFFFFFFF0] =	vst v0  }
.LBB2_30:
0x120: {  	s20 =	sadd.s32 $0x1, s20  }
0x121: {  	s20 =	smin.u32 s20, $0x1F  }
0x122: {  	v1 =	vld [tilespmem:s20+$0x1900];
	_ =	sdelay $0x4  }
0x123: {  	(v2sf) =	vpush v1, $0x0;
	_ =	sdelay $0xe  }
0x124: {  	s20 =	spop (v2sf)  }
0x125: {  	s21 =	sadd.s32 s21, s20  }
0x126: {  	p0 =	sgt.s32 s21, $0x7F  }
.Ltmp23:
0x127: {  	_ = 	snop;
	(pc) =	sbr.rel @p0 .LBB2_34-.Ltmp23, $2  }
0x128: {  	_ =	sdelay $0x2  }
0x129: {  	s24 =	simm.s32 $0x1930  }
0x12a: {  	s21 =	sadd.s32 s22, s9  }
0x12b: {  	p0 =	slt.s32 s21, $0x80  }
0x12c: {  	s21 =	simm.s32 @!p0 $0x80  }
0x12d: {  	s20 =	sadd.s32 s21, s20  }
0x12e: {  	s21 =	sshll.u32 s20, $0x8  }
0x12f: {  	s23 =	sadd.s32 $0xFFFFFFFF, s20;
	s21 =	sshra.s32 s21, $0x2  }
0x130: {  	s20 =	sadd.s32 $0x7950, s21;
	s21 =	sadd.s32 $0x1, s23  }
0x131: {  	p0 =	slt.s32 s21, $0x7F  }
.Ltmp24:
0x132: {  	_ = 	snop;
	(pc) =	sbr.rel @!p0 .LBB2_33-.Ltmp24, $4  }
0x133: {  	_ = 	snop  }
0x134: {  	[tilespmem:s20+$0xFFFFFFE0] =	vst v0  }
0x135: {  	[tilespmem:s20+$0x10] =	vst v0  }
0x136: {  	[tilespmem:s20+$0x0] =	vst v0  }
.LBB2_32:
0x137: {  	s21 =	sadd.s32 $0x1, s21  }
0x138: {  	[tilespmem:s20+$0xFFFFFFF0] =	vst v0;
	s20 =	sadd.s32 $0x40, s20;
	p0 =	slt.s32 s21, $0x7F  }
.Ltmp25:
0x139: {  	[tilespmem:s20+$0xFFFFFFE0] =	vst v0;
	(pc) =	sbr.rel @p0 .LBB2_32-.Ltmp25, $3  }
0x13a: {  	_ =	sdelay $0x1  }
0x13b: {  	[tilespmem:s20+$0x10] =	vst v0  }
0x13c: {  	[tilespmem:s20+$0x0] =	vst v0  }
.LBB2_33:
0x13d: {  	[tilespmem:s20+$0xFFFFFFF0] =	vst v0  }
.LBB2_34:
0x13e: {  	s19 =	sadd.s32 s3, s19  }
0x13f: {  	s19 =	sshll.u32 s19, $0x4  }
0x140: {  	s19 =	sand.u32 $0x1FFFF800, s19  }
0x141: {  	s20 =	simm.s32 $0x7930;
	s19 =	sadd.s32 s2, s19  }
0x142: {  	[hbm4b:s19+s17] =	stream.strided.scatter [tilespmem:s20], [sflag:$0x9], $0x2000, s18, s17, $0x38;
	[tilespmem:$0xB930] =	vst v63  }
0x143: {  	s21 =	simm.s32 $0x5;
	s19 =	sadd.s32 $0x200, s16  }
0x144: {  	_ =	swait.ge [sflag:s21], $0x2000;
	s22 =	smulhi.u32 $0x51EB851F, s19  }
0x145: {  	[sflag:s21] =	ssyncset.done $0x0  }
0x146: {  	[sflag:s21] =	ssyncadd.s32 $0xFFFFE000;
	s20 =	sshrl.u32 s22, $0x6  }
0x147: {  	v1 =	vld [tilespmem:s20+$0x1900];
	_ =	sdelay $0x4  }
0x148: {  	(v2sf) =	vpush v1, $0x0;
	_ =	sdelay $0xc  }
0x149: {  	s21 =	smul.u32 $0xC8, s20;
	_ =	sdelay $0x1  }
0x14a: {  	s23 =	ssub.s32 s21, s16;
	s22 =	spop (v2sf)  }
0x14b: {  	s21 =	ssub.s32 s21, s19;
	s23 =	sadd.s32 s22, s23  }
0x14c: {  	s16 =	sadd.s32 $0xC8, s21;
	s23 =	sadd.s32 $0xFFFFFE00, s23  }
0x14d: {  	p0 =	slt.s32 s16, $0x80;
	p1 =	sgt.s32 s23, $0x0  }
0x14e: {  	s16 =	simm.s32 @!p0 $0x80;
	s23 =	simm.s32 @!p1 $0x0  }
0x14f: {  	p0 =	sge.s32 s23, s16  }
.Ltmp26:
0x150: {  	_ = 	snop;
	(pc) =	sbr.rel @p0 .LBB2_38-.Ltmp26, $3  }
0x151: {  	s21 =	smulhi.u32 $0x51EB851F, s1;
	_ =	sdelay $0x1  }
0x152: {  	s21 =	sshrl.u32 s21, $0x6  }
0x153: {  	s21 =	smul.u32 $0xC8, s21  }
0x154: {  	s22 =	sadd.s32 s29, s22  }
0x155: {  	s22 =	sadd.s32 s21, s22  }
0x156: {  	p0 =	sgt.s32 s22, $0x0  }
0x157: {  	s23 =	sadd.s32 $0x1, s23;
	s22 =	simm.s32 @!p0 $0x0  }
0x158: {  	p0 =	slt.s32 s23, s16;
	s22 =	sshll.u32 s22, $0x8  }
.Ltmp27:
0x159: {  	s22 =	sshra.s32 s22, $0x2;
	(pc) =	sbr.rel @!p0 .LBB2_37-.Ltmp27, $4  }
0x15a: {  	s22 =	sadd.s32 $0x9950, s22  }
0x15b: {  	[tilespmem:s22+$0xFFFFFFE0] =	vst v0  }
0x15c: {  	[tilespmem:s22+$0x10] =	vst v0  }
0x15d: {  	[tilespmem:s22+$0x0] =	vst v0  }
.LBB2_36:
0x15e: {  	s23 =	sadd.s32 $0x1, s23  }
0x15f: {  	[tilespmem:s22+$0xFFFFFFF0] =	vst v0;
	s22 =	sadd.s32 $0x40, s22;
	p0 =	slt.s32 s23, s16  }
.Ltmp28:
0x160: {  	[tilespmem:s22+$0xFFFFFFE0] =	vst v0;
	(pc) =	sbr.rel @p0 .LBB2_36-.Ltmp28, $3  }
0x161: {  	_ =	sdelay $0x1  }
0x162: {  	[tilespmem:s22+$0x10] =	vst v0  }
0x163: {  	[tilespmem:s22+$0x0] =	vst v0  }
.LBB2_37:
0x164: {  	[tilespmem:s22+$0xFFFFFFF0] =	vst v0  }
.LBB2_38:
0x165: {  	s20 =	sadd.s32 $0x1, s20  }
0x166: {  	s20 =	smin.u32 s20, $0x1F  }
0x167: {  	v1 =	vld [tilespmem:s20+$0x1900];
	_ =	sdelay $0x4  }
0x168: {  	(v2sf) =	vpush v1, $0x0;
	_ =	sdelay $0xe  }
0x169: {  	s20 =	spop (v2sf)  }
0x16a: {  	s16 =	sadd.s32 s16, s20  }
0x16b: {  	p0 =	sgt.s32 s16, $0x7F  }
.Ltmp29:
0x16c: {  	_ = 	snop;
	(pc) =	sbr.rel @p0 .LBB2_42-.Ltmp29, $1  }
0x16d: {  	_ =	sdelay $0x3  }
0x16e: {  	s16 =	sadd.s32 s21, s11  }
0x16f: {  	p0 =	slt.s32 s16, $0x80  }
0x170: {  	s16 =	simm.s32 @!p0 $0x80  }
0x171: {  	s16 =	sadd.s32 s16, s20  }
0x172: {  	s20 =	sshll.u32 s16, $0x8  }
0x173: {  	s23 =	sadd.s32 $0xFFFFFFFF, s16;
	s20 =	sshra.s32 s20, $0x2  }
0x174: {  	s16 =	sadd.s32 $0x9950, s20;
	s20 =	sadd.s32 $0x1, s23  }
0x175: {  	p0 =	slt.s32 s20, $0x7F  }
.Ltmp30:
0x176: {  	_ = 	snop;
	(pc) =	sbr.rel @!p0 .LBB2_41-.Ltmp30, $4  }
0x177: {  	_ = 	snop  }
0x178: {  	[tilespmem:s16+$0xFFFFFFE0] =	vst v0  }
0x179: {  	[tilespmem:s16+$0x10] =	vst v0  }
0x17a: {  	[tilespmem:s16+$0x0] =	vst v0  }
.LBB2_40:
0x17b: {  	s20 =	sadd.s32 $0x1, s20  }
0x17c: {  	[tilespmem:s16+$0xFFFFFFF0] =	vst v0;
	s16 =	sadd.s32 $0x40, s16;
	p0 =	slt.s32 s20, $0x7F  }
.Ltmp31:
0x17d: {  	[tilespmem:s16+$0xFFFFFFE0] =	vst v0;
	(pc) =	sbr.rel @p0 .LBB2_40-.Ltmp31, $3  }
0x17e: {  	_ =	sdelay $0x1  }
0x17f: {  	[tilespmem:s16+$0x10] =	vst v0  }
0x180: {  	[tilespmem:s16+$0x0] =	vst v0  }
.LBB2_41:
0x181: {  	[tilespmem:s16+$0xFFFFFFF0] =	vst v0  }
.LBB2_42:
0x182: {  	s16 =	sadd.s32 s3, s19  }
0x183: {  	s16 =	sshll.u32 s16, $0x4  }
0x184: {  	s21 =	simm.s32 $0x9930;
	p0 =	seq.s32 s15, $0x9;
	s16 =	sand.u32 $0x1FFFF800, s16  }
.Ltmp32:
0x185: {  	s23 =	simm.s32 $0x6;
	s16 =	sadd.s32 s2, s16;
	(pc) =	sbr.rel @p0 .LBB2_44-.Ltmp32, $4  }
0x186: {  	[hbm4b:s16+s17] =	stream.strided.scatter [tilespmem:s21], [sflag:$0xA], $0x2000, s18, s17, $0x38;
	[tilespmem:$0xB930] =	vst v63  }
0x187: {  	_ =	swait.ge [sflag:s23], $0x2000  }
0x188: {  	[sflag:s23] =	ssyncset.done $0x0  }
0x189: {  	[sflag:s23] =	ssyncadd.s32 $0xFFFFE000  }
0x18a: {  	s16 =	smul.u32 $0xA00, s15;
	_ =	sdelay $0x1  }
0x18b: {  	s16 =	sshra.s32 s16, $0x2  }
0x18c: {  	s22 =	simm.s32 $0x7;
	s19 =	sadd.s32 $0x280, s16  }
0x18d: {  	[tilespmem:s24], [sflag:$0x1] =	stream.indirect.gather [hbm4b:s5+s18], $0x40, s19, s18, $0xb8;
	[tilespmem:$0xB930] =	vst v63  }
0x18e: {  	_ =	swait.ge [sflag:s22], $0x2000  }
0x18f: {  	s20 =	simm.s32 $0x3930;
	[sflag:s22] =	ssyncset.done $0x0  }
0x190: {  	s15 =	sadd.s32 $0x1, s15;
	s23 =	sadd.s32 $0x300, s16;
	[sflag:s22] =	ssyncadd.s32 $0xFFFFE000  }
0x191: {  	[tilespmem:s20], [sflag:$0x2] =	stream.indirect.gather [hbm4b:s5+s18], $0x40, s23, s18, $0xb8;
	[tilespmem:$0xB930] =	vst v63  }
0x192: {  	s14 =	sadd.s32 $0xFFFFFD80, s14;
	s13 =	sadd.s32 $0x280, s13;
	_ =	swait.ge [sflag:s25], $0x2000  }
0x193: {  	s0 =	sadd.s32 $0xFFFFFD80, s0;
	s10 =	sadd.s32 $0xFFFFFD80, s10;
	[sflag:s25] =	ssyncset.done $0x0  }
0x194: {  	s22 =	sadd.s32 $0x380, s16;
	s23 =	simm.s32 $0x5930;
	[sflag:s25] =	ssyncadd.s32 $0xFFFFE000  }
0x195: {  	[tilespmem:s23], [sflag:$0x3] =	stream.indirect.gather [hbm4b:s5+s18], $0x40, s22, s18, $0xb8;
	[tilespmem:$0xB930] =	vst v63  }
0x196: {  	s12 =	sadd.s32 $0x280, s12;
	s6 =	sadd.s32 $0xFFFFFD80, s6;
	_ =	swait.ge [sflag:s26], $0x2000  }
0x197: {  	s7 =	sadd.s32 $0xFFFFFD80, s7;
	s30 =	sadd.s32 $0x280, s30;
	[sflag:s26] =	ssyncset.done $0x0  }
0x198: {  	s22 =	sadd.s32 $0x400, s16;
	s23 =	simm.s32 $0x7930;
	[sflag:s26] =	ssyncadd.s32 $0xFFFFE000  }
0x199: {  	[tilespmem:s23], [sflag:$0x4] =	stream.indirect.gather [hbm4b:s5+s18], $0x40, s22, s18, $0xb8;
	[tilespmem:$0xB930] =	vst v63  }
.Ltmp33:
0x19a: {  	s8 =	sadd.s32 $0xFFFFFD80, s8;
	s4 =	sadd.s32 $0xFFFFFD80, s4;
	(pc) =	sbr.rel .LBB2_2-.Ltmp33, $4  }
0x19b: {  	s31 =	sadd.s32 $0x280, s31;
	s9 =	sadd.s32 $0xFFFFFD80, s9;
	_ =	swait.ge [sflag:s28], $0x2000  }
0x19c: {  	s29 =	sadd.s32 $0xFFFFFD80, s29;
	s1 =	sadd.s32 $0x280, s1;
	[sflag:s28] =	ssyncset.done $0x0  }
0x19d: {  	s11 =	sadd.s32 $0xFFFFFD80, s11;
	s16 =	sadd.s32 $0x480, s16;
	[sflag:s28] =	ssyncadd.s32 $0xFFFFE000  }
0x19e: {  	[tilespmem:s21], [sflag:$0x5] =	stream.indirect.gather [hbm4b:s5+s18], $0x40, s16, s18, $0xb8;
	[tilespmem:$0xB930] =	vst v63  }
.LBB2_45:
0x19f: {  	_ =	sfence.sel $0x180000  }
0x1a0: {  	[bflag:$0x0] =	sbarrier.arrive $0xFFFF  }
0x1a1: {  	_ =	strace $0x90000047  }
0x1a2: {  	s0 =	stileid.u32;
	[bflag:$0x2] =	sbarrier.arrive $0xFFFF  }
0x1a3: {  	p0 =	sne.s32 s0, $0x0;
	s0 =	rddreg [dreg:$0x3]  }
0x1a4: {  	s0 =	sadd.s32 @!p0 $0x100000, s0  }
0x1a5: {  	[sflag:s0] =	ssyncadd.tile.s32 @!p0 $0x1;
	_ =	shalt  }
.Lfunc_end2:
_tile_overlayer_lowered:
.L_overlay_start_2:
0x1a6: {  	(tag) =	ssettag $0x2  }
0x1a7: {  	s0 =	rddreg [dreg:$0x0];
	s2 =	stileid.u32  }
0x1a8: {  	s1 =	rddreg [dreg:$0x1];
	p0 =	sne.s32 s2, $0x0  }
0x1a9: {  	s3 =	rddreg [dreg:$0x2];
	[bflag:$0x3] =	sbarrier.arrive $0xFFFF;
	s2 =	simm.s32 @!p0 $0x1C0B  }
0x1aa: {  	[timem:s3], [sflag:s2] =	dma.local @!p0 [hbm:s0], s1  }
0x1ab: {  	s0 =	simm.s32 @!p0 $0xB  }
0x1ac: {  	_ =	swait.ge @!p0 [sflag:s0], s1  }
0x1ad: {  	s1 =	ssub.s32 @!p0 $0x0, s1;
	[sflag:s0] =	ssyncset.done @!p0 $0x0  }
0x1ae: {  	[sflag:s0] =	ssyncadd.s32 @!p0 s1  }
0x1af: {  	[bflag:$0x3] =	sbarrier.arrive $0xFFFF  }
0x1b0: {  	_ =	shalt  }

</sc_bundles>
